<compile_context>
chip_gen: v7x
topology: tpu7x:2x2x1
jax: 0.10.2.dev20260603
libtpu: 0.0.44.dev20260713+nightly
codegen_flags: <defaults>
</compile_context>

<pallas_src>
import functools

import jax
import jax.numpy as jnp
from jax import lax
from jax.experimental import pallas as pl
from jax.experimental.pallas import tpu as pltpu
from jax.experimental.pallas import tpu_sc as plsc

V = 100000
D = 64
R = 16
B = 16384
L = 20

_NC = 2
_NS = 16
_NW = _NC * _NS

_BW = B // _NW
_RPD = 128
_CPL = _BW // _RPD

_TBL_BLK = 8192
_LANES = 128


def _build_table_body(orig_t_ref, aw1_t_ref, m_ref, out_ref):
    cat = jnp.concatenate([orig_t_ref[...], aw1_t_ref[...]], axis=0)
    out_ref[:, 0:D] = lax.dot_general(
        cat, m_ref[...],
        dimension_numbers=(((0,), (0,)), ((), ())),
        preferred_element_type=jnp.float32,
    )


def _build_table(orig_t, aw1_t, m):
    return pl.pallas_call(
        _build_table_body,
        grid=(pl.cdiv(V, _TBL_BLK),),
        in_specs=[
            pl.BlockSpec((D, _TBL_BLK), lambda i: (0, i)),
            pl.BlockSpec((R, _TBL_BLK), lambda i: (0, i)),
            pl.BlockSpec((D + R, D), lambda i: (0, 0)),
        ],
        out_specs=pl.BlockSpec((_TBL_BLK, _LANES), lambda i: (i, 0)),
        out_shape=jax.ShapeDtypeStruct((V, _LANES), jnp.float32),
    )(orig_t, aw1_t, m)


@functools.partial(
    pl.kernel,
    mesh=plsc.VectorSubcoreMesh(core_axis_name="c", subcore_axis_name="s"),
    out_type=jax.ShapeDtypeStruct((L, B, D), jnp.float32),
    scratch_types=[
        pltpu.VMEM((L, _BW), jnp.int32),
        pltpu.VMEM((2, _RPD, _LANES), jnp.float32),
        pltpu.VMEM((2, _RPD, D), jnp.float32),
        pltpu.SemaphoreType.DMA,
        pltpu.SemaphoreType.DMA,
        pltpu.SemaphoreType.DMA,
        pltpu.SemaphoreType.DMA,
    ],
)
def _gather(table_hbm, xt_hbm, out_hbm, idx_v, rows_v, comp_v,
            sg0, sg1, so0, so1):
    wid = lax.axis_index("s") * _NC + lax.axis_index("c")
    b0 = wid * _BW
    pltpu.sync_copy(xt_hbm.at[:, pl.ds(b0, _BW)], idx_v)
    sg = (sg0, sg1)
    so = (so0, so1)
    n_ch = L * _CPL

    def gather_cp(j, b, sem):
        l = j // _CPL
        c = j % _CPL
        return pltpu.make_async_copy(
            table_hbm.at[idx_v.at[l, pl.ds(c * _RPD, _RPD)]],
            rows_v.at[b], sem,
        )

    def out_cp(j, b, sem):
        l = j // _CPL
        c = j % _CPL
        return pltpu.make_async_copy(
            comp_v.at[b],
            out_hbm.at[l, pl.ds(pl.multiple_of(b0 + c * _RPD, _RPD), _RPD), :],
            sem,
        )

    gather_cp(0, 0, sg[0]).start()

    def outer(j0, carry):
        for b in range(2):
            j = j0 + b
            gather_cp(j, b, sg[b]).wait()

            @pl.when(j + 1 < n_ch)
            def _():
                gather_cp(j + 1, 1 - b, sg[1 - b]).start()

            @pl.when(j >= 2)
            def _():
                out_cp(j - 2, b, so[b]).wait()

            def tok(t, c):
                for q in range(D // 16):
                    comp_v[b, t, pl.ds(q * 16, 16)] = rows_v[
                        b, t, pl.ds(q * 16, 16)
                    ]
                return c

            lax.fori_loop(0, _RPD, tok, 0)
            out_cp(j, b, so[b]).start()
        return carry

    lax.fori_loop(0, n_ch // 2, lambda i, c: outer(i * 2, c), 0)
    out_cp(n_ch - 2, 0, so[0]).wait()
    out_cp(n_ch - 1, 1, so[1]).wait()


def kernel(x, orig_weight, aw1, aw2):
    m = jnp.concatenate([jnp.eye(D, dtype=jnp.float32), aw2], axis=0)
    table = _build_table(orig_weight.T, aw1.T, m)
    out_lb = _gather(table, x.T.astype(jnp.int32))
    return jnp.transpose(out_lb, (1, 0, 2))

# --- scband reference (transcript-rebuilt; emitter-appended) ---
"""Pipeline reference for scband-loralized-embedding-17540646436900 (READ-ONLY COPY).

The authoritative reference and input builder live on the scoring server;
editing this copy changes nothing except your own understanding.
"""

import jax, jax.numpy as jnp
import numpy as np

V = 100000
D = 64
R = 16
B = 16384
L = 20


def setup_inputs(seed: int = 0) -> dict:
    key = jax.random.key(seed)
    k1, k2, k3, k4 = jax.random.split(key, 4)
    x = jax.random.randint(k1, (B, L), 0, V, dtype=jnp.int64) if jax.config.jax_enable_x64 else jax.random.randint(k1, (B, L), 0, V, dtype=jnp.int32)
    # frozen original embedding table (nn.Embedding default init ~ N(0,1))
    orig_weight = jax.random.normal(k2, (V, D), dtype=jnp.float32)
    # LoRA adaptor factors, both init N(0, 0.02) per get_adaptor
    aw1 = 0.02 * jax.random.normal(k3, (V, R), dtype=jnp.float32)
    aw2 = 0.02 * jax.random.normal(k4, (R, D), dtype=jnp.float32)
    return {"x": x, "orig_weight": orig_weight, "aw1": aw1, "aw2": aw2}


def reference(x, orig_weight, aw1, aw2):
    # weight = orig_weight + aw1 @ aw2 (low-rank update applied to full table)
    weight = orig_weight + aw1 @ aw2
    # F.embedding with padding_idx=None, max_norm=None, sparse=False -> plain gather
    out = jnp.take(weight, x, axis=0)
    return out

if __name__ == "__main__":
    import jax
    _d = setup_inputs()
    print(jax.jit(kernel)(*tuple(_d.values())))

</pallas_src>

<mosaic_0001>
#map = affine_map<(d0, d1) -> (0, 0)>
#map1 = affine_map<(d0, d1) -> (0, 0, 0)>
module attributes {stable_mosaic.version = 14 : i64} {
  func.func @_gather(%arg0: i32, %arg1: i32, %arg2: memref<100000x128xf32, #tpu.memory_space<hbm>>, %arg3: memref<20x16384xi32, #tpu.memory_space<hbm>>, %arg4: memref<20x16384x64xf32, #tpu.memory_space<hbm>>, %arg5: memref<20x512xi32, #tpu.memory_space<vmem>>, %arg6: memref<2x128x128xf32, #tpu.memory_space<vmem>>, %arg7: memref<2x128x64xf32, #tpu.memory_space<vmem>>, %arg8: memref<!tpu.dma_semaphore, #tpu.memory_space<semaphore_mem>>, %arg9: memref<!tpu.dma_semaphore, #tpu.memory_space<semaphore_mem>>, %arg10: memref<!tpu.dma_semaphore, #tpu.memory_space<semaphore_mem>>, %arg11: memref<!tpu.dma_semaphore, #tpu.memory_space<semaphore_mem>>) attributes {dimension_semantics = [#tpu.dimension_semantics<core_parallel>, #tpu.dimension_semantics<subcore_parallel>], iteration_bounds = array<i64: 2, 16>, scalar_prefetch = 0 : i64, scratch_operands = 7 : i64, tpu.core_type = #tpu.core_type<sc_vector_subcore>, window_params = [{transform_indices = #map}, {transform_indices = #map}, {transform_indices = #map1}]} {
    %mul3A = arith.constant 2 : i32
    %mul3A_0 = arith.muli %arg1, %mul3A : i32
    %add3A = arith.addi %mul3A_0, %arg0 : i32
    %mul3A_1 = arith.constant 512 : i32
    %mul3A_2 = arith.muli %add3A, %mul3A_1 : i32
    "tpu.region"() ({
      %run_scoped3A = tpu.sem_alloc : memref<!tpu.dma_semaphore, #tpu.memory_space<semaphore_mem>>
      %dma_start3A_55 = arith.constant 0 : i32
      %dma_start3A_56 = tpu.memref_slice %arg3[%dma_start3A_55, %mul3A_2] : memref<20x16384xi32, #tpu.memory_space<hbm>> -> memref<20x512xi32, #tpu.memory_space<hbm>>
      %dma_start3A_57 = arith.constant 0 : i32
      %dma_start3A_58 = tpu.memref_slice %arg3[%dma_start3A_57, %mul3A_2] : memref<20x16384xi32, #tpu.memory_space<hbm>> -> memref<20x512xi32, #tpu.memory_space<hbm>>
      tpu.enqueue_dma source(%dma_start3A_58 : memref<20x512xi32, #tpu.memory_space<hbm>>) target(%arg5 : memref<20x512xi32, #tpu.memory_space<vmem>>) target_semaphore(%run_scoped3A : memref<!tpu.dma_semaphore, #tpu.memory_space<semaphore_mem>>)
      %dma_wait3A_59 = arith.constant 0 : i32
      %dma_wait3A_60 = tpu.memref_slice %arg3[%dma_wait3A_59, %mul3A_2] : memref<20x16384xi32, #tpu.memory_space<hbm>> -> memref<20x512xi32, #tpu.memory_space<hbm>>
      %dma_wait3A_61 = arith.constant 0 : i32
      %dma_wait3A_62 = tpu.memref_slice %arg3[%dma_wait3A_61, %mul3A_2] : memref<20x16384xi32, #tpu.memory_space<hbm>> -> memref<20x512xi32, #tpu.memory_space<hbm>>
      tpu.wait_dma2 semaphore(%run_scoped3A : memref<!tpu.dma_semaphore, #tpu.memory_space<semaphore_mem>>) src(%dma_wait3A_62 : memref<20x512xi32, #tpu.memory_space<hbm>>) dst(%arg5 : memref<20x512xi32, #tpu.memory_space<vmem>>)
      tpu.yield
    }) : () -> ()
    %dma_start3A = arith.constant 0 : i32
    %dma_start3A_3 = arith.constant 0 : i32
    %dma_start3A_4 = arith.constant 0 : i32
    %dma_start3A_5 = arith.constant 0 : i32
    %dma_start3A_6 = tpu.memref_slice %arg6[%dma_start3A_3, %dma_start3A_4, %dma_start3A_5] : memref<2x128x128xf32, #tpu.memory_space<vmem>> -> memref<1x128x128xf32, #tpu.memory_space<vmem>>
    %dma_start3A_7 = tpu.memref_squeeze %dma_start3A_6 : memref<1x128x128xf32, #tpu.memory_space<vmem>> -> memref<128x128xf32, #tpu.memory_space<vmem>>
    %dma_start3A_8 = arith.constant 0 : i32
    %dma_start3A_9 = tpu.memref_slice %arg5[%dma_start3A, %dma_start3A_8] : memref<20x512xi32, #tpu.memory_space<vmem>> -> memref<1x128xi32, #tpu.memory_space<vmem>>
    %dma_start3A_10 = tpu.memref_squeeze %dma_start3A_9 : memref<1x128xi32, #tpu.memory_space<vmem>> -> memref<128xi32, #tpu.memory_space<vmem>>
    %dma_start3A_11 = arith.constant 0 : i32
    %dma_start3A_12 = arith.constant 0 : i32
    %dma_start3A_13 = tpu.memref_slice %arg2[%dma_start3A_11, %dma_start3A_12] : memref<100000x128xf32, #tpu.memory_space<hbm>> -> memref<100000x128xf32, #tpu.memory_space<hbm>>
    tpu.enqueue_indirect_dma source(%dma_start3A_13 : memref<100000x128xf32, #tpu.memory_space<hbm>>) target(%dma_start3A_7 : memref<128x128xf32, #tpu.memory_space<vmem>>) offsets(%dma_start3A_10 : memref<128xi32, #tpu.memory_space<vmem>>) semaphore(%arg8 : memref<!tpu.dma_semaphore, #tpu.memory_space<semaphore_mem>>)
    %scan3A = arith.constant 0 : i32
    %scan3A_14 = arith.constant 0 : i32
    %scan3A_15 = arith.constant 40 : i32
    %scan3A_16 = arith.addi %scan3A_14, %scan3A_15 : i32
    %scan3A_17 = arith.constant 1 : i32
    scf.for %scan3A_55 = %scan3A_14 to %scan3A_16 step %scan3A_17  : i32 {
      %mul3A_56 = arith.constant 2 : i32
      %mul3A_57 = arith.muli %scan3A_55, %mul3A_56 : i32
      %add3A_58 = arith.constant 0 : i32
      %add3A_59 = arith.addi %mul3A_57, %add3A_58 : i32
      %jit3A = arith.constant 4 : i32
      %div3A = arith.divsi %add3A_59, %jit3A : i32
      %sign3A = arith.constant 0 : i32
      %sign3A_60 = arith.cmpi sgt, %add3A_59, %sign3A : i32
      %sign3A_61 = arith.extui %sign3A_60 : i1 to i32
      %sign3A_62 = arith.constant 0 : i32
      %sign3A_63 = arith.cmpi slt, %add3A_59, %sign3A_62 : i32
      %sign3A_64 = arith.extui %sign3A_63 : i1 to i32
      %sign3A_65 = arith.subi %sign3A_61, %sign3A_64 : i32
      %sign3A_66 = arith.constant 0 : i32
      %sign3A_67 = arith.cmpi sgt, %jit3A, %sign3A_66 : i32
      %sign3A_68 = arith.extui %sign3A_67 : i1 to i32
      %sign3A_69 = arith.constant 0 : i32
      %sign3A_70 = arith.cmpi slt, %jit3A, %sign3A_69 : i32
      %sign3A_71 = arith.extui %sign3A_70 : i1 to i32
      %sign3A_72 = arith.subi %sign3A_68, %sign3A_71 : i32
      %ne3A = arith.cmpi ne, %sign3A_65, %sign3A_72 : i32
      %rem3A = arith.remsi %add3A_59, %jit3A : i32
      %ne3A_73 = arith.constant 0 : i32
      %ne3A_74 = arith.cmpi ne, %rem3A, %ne3A_73 : i32
      %and3A = arith.andi %ne3A, %ne3A_74 : i1
      %sub3A = arith.constant 1 : i32
      %sub3A_75 = arith.subi %div3A, %sub3A : i32
      %select_n3A = arith.select %and3A, %sub3A_75, %div3A : i32
      %jit3A_76 = arith.constant 4 : i32
      %eq3A = arith.constant 0 : i32
      %eq3A_77 = arith.cmpi eq, %jit3A_76, %eq3A : i32
      %jit3A_78 = arith.constant 1 : i32
      %select_n3A_79 = arith.select %eq3A_77, %jit3A_78, %jit3A_76 : i32
      %rem3A_80 = arith.remsi %add3A_59, %select_n3A_79 : i32
      %ne3A_81 = arith.constant 0 : i32
      %ne3A_82 = arith.cmpi ne, %rem3A_80, %ne3A_81 : i32
      %lt3A = arith.constant 0 : i32
      %lt3A_83 = arith.cmpi slt, %rem3A_80, %lt3A : i32
      %lt3A_84 = arith.constant 0 : i32
      %lt3A_85 = arith.cmpi slt, %select_n3A_79, %lt3A_84 : i32
      %ne3A_86 = arith.xori %lt3A_83, %lt3A_85 : i1
      %and3A_87 = arith.andi %ne3A_86, %ne3A_82 : i1
      %add3A_88 = arith.addi %rem3A_80, %select_n3A_79 : i32
      %select_n3A_89 = arith.select %and3A_87, %add3A_88, %rem3A_80 : i32
      %mul3A_90 = arith.constant 128 : i32
      %mul3A_91 = arith.muli %select_n3A_89, %mul3A_90 : i32
      %dma_wait3A_92 = arith.constant 0 : i32
      %dma_wait3A_93 = arith.constant 0 : i32
      %dma_wait3A_94 = arith.constant 0 : i32
      %dma_wait3A_95 = tpu.memref_slice %arg6[%dma_wait3A_92, %dma_wait3A_93, %dma_wait3A_94] : memref<2x128x128xf32, #tpu.memory_space<vmem>> -> memref<1x128x128xf32, #tpu.memory_space<vmem>>
      %dma_wait3A_96 = tpu.memref_squeeze %dma_wait3A_95 : memref<1x128x128xf32, #tpu.memory_space<vmem>> -> memref<128x128xf32, #tpu.memory_space<vmem>>
      %dma_wait3A_97 = tpu.memref_slice %arg5[%select_n3A, %mul3A_91] : memref<20x512xi32, #tpu.memory_space<vmem>> -> memref<1x128xi32, #tpu.memory_space<vmem>>
      %dma_wait3A_98 = tpu.memref_squeeze %dma_wait3A_97 : memref<1x128xi32, #tpu.memory_space<vmem>> -> memref<128xi32, #tpu.memory_space<vmem>>
      %dma_wait3A_99 = arith.constant 0 : i32
      %dma_wait3A_100 = arith.constant 0 : i32
      %dma_wait3A_101 = tpu.memref_slice %arg2[%dma_wait3A_99, %dma_wait3A_100] : memref<100000x128xf32, #tpu.memory_space<hbm>> -> memref<100000x128xf32, #tpu.memory_space<hbm>>
      tpu.wait_indirect_dma semaphore(%arg8 : memref<!tpu.dma_semaphore, #tpu.memory_space<semaphore_mem>>) src(%dma_wait3A_101 : memref<100000x128xf32, #tpu.memory_space<hbm>>) dst(%dma_wait3A_96 : memref<128x128xf32, #tpu.memory_space<vmem>>)
      %add3A_102 = arith.constant 1 : i32
      %add3A_103 = arith.addi %add3A_59, %add3A_102 : i32
      %lt3A_104 = arith.constant 80 : i32
      %lt3A_105 = arith.cmpi slt, %add3A_103, %lt3A_104 : i32
      %convert_element_type3A = arith.extui %lt3A_105 : i1 to i32
      %cond3A = arith.constant 0 : i32
      %cond3A_106 = arith.cmpi ne, %convert_element_type3A, %cond3A : i32
      scf.if %cond3A_106 {
        %add3A_307 = arith.constant 1 : i32
        %add3A_308 = arith.addi %add3A_59, %add3A_307 : i32
        %jit3A_309 = arith.constant 4 : i32
        %div3A_310 = arith.divsi %add3A_308, %jit3A_309 : i32
        %sign3A_311 = arith.constant 0 : i32
        %sign3A_312 = arith.cmpi sgt, %add3A_308, %sign3A_311 : i32
        %sign3A_313 = arith.extui %sign3A_312 : i1 to i32
        %sign3A_314 = arith.constant 0 : i32
        %sign3A_315 = arith.cmpi slt, %add3A_308, %sign3A_314 : i32
        %sign3A_316 = arith.extui %sign3A_315 : i1 to i32
        %sign3A_317 = arith.subi %sign3A_313, %sign3A_316 : i32
        %sign3A_318 = arith.constant 0 : i32
        %sign3A_319 = arith.cmpi sgt, %jit3A_309, %sign3A_318 : i32
        %sign3A_320 = arith.extui %sign3A_319 : i1 to i32
        %sign3A_321 = arith.constant 0 : i32
        %sign3A_322 = arith.cmpi slt, %jit3A_309, %sign3A_321 : i32
        %sign3A_323 = arith.extui %sign3A_322 : i1 to i32
        %sign3A_324 = arith.subi %sign3A_320, %sign3A_323 : i32
        %ne3A_325 = arith.cmpi ne, %sign3A_317, %sign3A_324 : i32
        %rem3A_326 = arith.remsi %add3A_308, %jit3A_309 : i32
        %ne3A_327 = arith.constant 0 : i32
        %ne3A_328 = arith.cmpi ne, %rem3A_326, %ne3A_327 : i32
        %and3A_329 = arith.andi %ne3A_325, %ne3A_328 : i1
        %sub3A_330 = arith.constant 1 : i32
        %sub3A_331 = arith.subi %div3A_310, %sub3A_330 : i32
        %select_n3A_332 = arith.select %and3A_329, %sub3A_331, %div3A_310 : i32
        %jit3A_333 = arith.constant 4 : i32
        %eq3A_334 = arith.constant 0 : i32
        %eq3A_335 = arith.cmpi eq, %jit3A_333, %eq3A_334 : i32
        %jit3A_336 = arith.constant 1 : i32
        %select_n3A_337 = arith.select %eq3A_335, %jit3A_336, %jit3A_333 : i32
        %rem3A_338 = arith.remsi %add3A_308, %select_n3A_337 : i32
        %ne3A_339 = arith.constant 0 : i32
        %ne3A_340 = arith.cmpi ne, %rem3A_338, %ne3A_339 : i32
        %lt3A_341 = arith.constant 0 : i32
        %lt3A_342 = arith.cmpi slt, %rem3A_338, %lt3A_341 : i32
        %lt3A_343 = arith.constant 0 : i32
        %lt3A_344 = arith.cmpi slt, %select_n3A_337, %lt3A_343 : i32
        %ne3A_345 = arith.xori %lt3A_342, %lt3A_344 : i1
        %and3A_346 = arith.andi %ne3A_345, %ne3A_340 : i1
        %add3A_347 = arith.addi %rem3A_338, %select_n3A_337 : i32
        %select_n3A_348 = arith.select %and3A_346, %add3A_347, %rem3A_338 : i32
        %mul3A_349 = arith.constant 128 : i32
        %mul3A_350 = arith.muli %select_n3A_348, %mul3A_349 : i32
        %dma_start3A_351 = arith.constant 1 : i32
        %dma_start3A_352 = arith.constant 0 : i32
        %dma_start3A_353 = arith.constant 0 : i32
        %dma_start3A_354 = tpu.memref_slice %arg6[%dma_start3A_351, %dma_start3A_352, %dma_start3A_353] : memref<2x128x128xf32, #tpu.memory_space<vmem>> -> memref<1x128x128xf32, #tpu.memory_space<vmem>>
        %dma_start3A_355 = tpu.memref_squeeze %dma_start3A_354 : memref<1x128x128xf32, #tpu.memory_space<vmem>> -> memref<128x128xf32, #tpu.memory_space<vmem>>
        %dma_start3A_356 = tpu.memref_slice %arg5[%select_n3A_332, %mul3A_350] : memref<20x512xi32, #tpu.memory_space<vmem>> -> memref<1x128xi32, #tpu.memory_space<vmem>>
        %dma_start3A_357 = tpu.memref_squeeze %dma_start3A_356 : memref<1x128xi32, #tpu.memory_space<vmem>> -> memref<128xi32, #tpu.memory_space<vmem>>
        %dma_start3A_358 = arith.constant 0 : i32
        %dma_start3A_359 = arith.constant 0 : i32
        %dma_start3A_360 = tpu.memref_slice %arg2[%dma_start3A_358, %dma_start3A_359] : memref<100000x128xf32, #tpu.memory_space<hbm>> -> memref<100000x128xf32, #tpu.memory_space<hbm>>
        tpu.enqueue_indirect_dma source(%dma_start3A_360 : memref<100000x128xf32, #tpu.memory_space<hbm>>) target(%dma_start3A_355 : memref<128x128xf32, #tpu.memory_space<vmem>>) offsets(%dma_start3A_357 : memref<128xi32, #tpu.memory_space<vmem>>) semaphore(%arg9 : memref<!tpu.dma_semaphore, #tpu.memory_space<semaphore_mem>>)
      } else {
      }
      %ge3A = arith.constant 2 : i32
      %ge3A_107 = arith.cmpi sge, %add3A_59, %ge3A : i32
      %convert_element_type3A_108 = arith.extui %ge3A_107 : i1 to i32
      %cond3A_109 = arith.constant 0 : i32
      %cond3A_110 = arith.cmpi ne, %convert_element_type3A_108, %cond3A_109 : i32
      scf.if %cond3A_110 {
        %sub3A_307 = arith.constant 2 : i32
        %sub3A_308 = arith.subi %add3A_59, %sub3A_307 : i32
        %jit3A_309 = arith.constant 4 : i32
        %div3A_310 = arith.divsi %sub3A_308, %jit3A_309 : i32
        %sign3A_311 = arith.constant 0 : i32
        %sign3A_312 = arith.cmpi sgt, %sub3A_308, %sign3A_311 : i32
        %sign3A_313 = arith.extui %sign3A_312 : i1 to i32
        %sign3A_314 = arith.constant 0 : i32
        %sign3A_315 = arith.cmpi slt, %sub3A_308, %sign3A_314 : i32
        %sign3A_316 = arith.extui %sign3A_315 : i1 to i32
        %sign3A_317 = arith.subi %sign3A_313, %sign3A_316 : i32
        %sign3A_318 = arith.constant 0 : i32
        %sign3A_319 = arith.cmpi sgt, %jit3A_309, %sign3A_318 : i32
        %sign3A_320 = arith.extui %sign3A_319 : i1 to i32
        %sign3A_321 = arith.constant 0 : i32
        %sign3A_322 = arith.cmpi slt, %jit3A_309, %sign3A_321 : i32
        %sign3A_323 = arith.extui %sign3A_322 : i1 to i32
        %sign3A_324 = arith.subi %sign3A_320, %sign3A_323 : i32
        %ne3A_325 = arith.cmpi ne, %sign3A_317, %sign3A_324 : i32
        %rem3A_326 = arith.remsi %sub3A_308, %jit3A_309 : i32
        %ne3A_327 = arith.constant 0 : i32
        %ne3A_328 = arith.cmpi ne, %rem3A_326, %ne3A_327 : i32
        %and3A_329 = arith.andi %ne3A_325, %ne3A_328 : i1
        %sub3A_330 = arith.constant 1 : i32
        %sub3A_331 = arith.subi %div3A_310, %sub3A_330 : i32
        %select_n3A_332 = arith.select %and3A_329, %sub3A_331, %div3A_310 : i32
        %jit3A_333 = arith.constant 4 : i32
        %eq3A_334 = arith.constant 0 : i32
        %eq3A_335 = arith.cmpi eq, %jit3A_333, %eq3A_334 : i32
        %jit3A_336 = arith.constant 1 : i32
        %select_n3A_337 = arith.select %eq3A_335, %jit3A_336, %jit3A_333 : i32
        %rem3A_338 = arith.remsi %sub3A_308, %select_n3A_337 : i32
        %ne3A_339 = arith.constant 0 : i32
        %ne3A_340 = arith.cmpi ne, %rem3A_338, %ne3A_339 : i32
        %lt3A_341 = arith.constant 0 : i32
        %lt3A_342 = arith.cmpi slt, %rem3A_338, %lt3A_341 : i32
        %lt3A_343 = arith.constant 0 : i32
        %lt3A_344 = arith.cmpi slt, %select_n3A_337, %lt3A_343 : i32
        %ne3A_345 = arith.xori %lt3A_342, %lt3A_344 : i1
        %and3A_346 = arith.andi %ne3A_345, %ne3A_340 : i1
        %add3A_347 = arith.addi %rem3A_338, %select_n3A_337 : i32
        %select_n3A_348 = arith.select %and3A_346, %add3A_347, %rem3A_338 : i32
        %mul3A_349 = arith.constant 128 : i32
        %mul3A_350 = arith.muli %select_n3A_348, %mul3A_349 : i32
        %add3A_351 = arith.addi %mul3A_2, %mul3A_350 : i32
        %multiple_of3A_352 = tpu.assume_multiple %add3A_351, 128 : i32
        %dma_wait3A_353 = arith.constant 0 : i32
        %dma_wait3A_354 = arith.constant 0 : i32
        %dma_wait3A_355 = arith.constant 0 : i32
        %dma_wait3A_356 = tpu.memref_slice %arg7[%dma_wait3A_353, %dma_wait3A_354, %dma_wait3A_355] : memref<2x128x64xf32, #tpu.memory_space<vmem>> -> memref<1x128x64xf32, #tpu.memory_space<vmem>>
        %dma_wait3A_357 = tpu.memref_squeeze %dma_wait3A_356 : memref<1x128x64xf32, #tpu.memory_space<vmem>> -> memref<128x64xf32, #tpu.memory_space<vmem>>
        %dma_wait3A_358 = arith.constant 0 : i32
        %dma_wait3A_359 = tpu.memref_slice %arg4[%select_n3A_332, %multiple_of3A_352, %dma_wait3A_358] : memref<20x16384x64xf32, #tpu.memory_space<hbm>> -> memref<1x128x64xf32, #tpu.memory_space<hbm>>
        %dma_wait3A_360 = tpu.memref_squeeze %dma_wait3A_359 : memref<1x128x64xf32, #tpu.memory_space<hbm>> -> memref<128x64xf32, #tpu.memory_space<hbm>>
        %dma_wait3A_361 = arith.constant 0 : i32
        %dma_wait3A_362 = tpu.memref_slice %arg4[%select_n3A_332, %multiple_of3A_352, %dma_wait3A_361] : memref<20x16384x64xf32, #tpu.memory_space<hbm>> -> memref<1x128x64xf32, #tpu.memory_space<hbm>>
        %dma_wait3A_363 = tpu.memref_squeeze %dma_wait3A_362 : memref<1x128x64xf32, #tpu.memory_space<hbm>> -> memref<128x64xf32, #tpu.memory_space<hbm>>
        %dma_wait3A_364 = arith.constant 0 : i32
        %dma_wait3A_365 = arith.constant 0 : i32
        %dma_wait3A_366 = tpu.memref_slice %arg7[%dma_wait3A_353, %dma_wait3A_364, %dma_wait3A_365] : memref<2x128x64xf32, #tpu.memory_space<vmem>> -> memref<1x128x64xf32, #tpu.memory_space<vmem>>
        %dma_wait3A_367 = tpu.memref_squeeze %dma_wait3A_366 : memref<1x128x64xf32, #tpu.memory_space<vmem>> -> memref<128x64xf32, #tpu.memory_space<vmem>>
        tpu.wait_dma2 semaphore(%arg10 : memref<!tpu.dma_semaphore, #tpu.memory_space<semaphore_mem>>) src(%dma_wait3A_367 : memref<128x64xf32, #tpu.memory_space<vmem>>) dst(%dma_wait3A_363 : memref<128x64xf32, #tpu.memory_space<hbm>>)
      } else {
      }
      %scan3A_111 = arith.constant 0 : i32
      %scan3A_112 = arith.constant 0 : i32
      %scan3A_113 = arith.constant 128 : i32
      %scan3A_114 = arith.addi %scan3A_112, %scan3A_113 : i32
      %scan3A_115 = arith.constant 1 : i32
      scf.for %scan3A_307 = %scan3A_112 to %scan3A_114 step %scan3A_115  : i32 {
        %get3A = arith.constant 0 : i32
        %get3A_308 = arith.index_cast %get3A : i32 to index
        %get3A_309 = arith.index_cast %scan3A_307 : i32 to index
        %get3A_310 = arith.constant 0 : index
        %get3A_311 = tpu.vector_load %arg6[%get3A_308, %get3A_309, %get3A_310] {strides = array<i32>} : memref<2x128x128xf32, #tpu.memory_space<vmem>>, vector<1x1x16xf32>,
        %get3A_312 = vector.shape_cast %get3A_311 : vector<1x1x16xf32> to vector<16xf32>
        %swap3A = arith.constant 0 : i32
        %swap3A_313 = arith.index_cast %swap3A : i32 to index
        %swap3A_314 = arith.index_cast %scan3A_307 : i32 to index
        %swap3A_315 = arith.constant 0 : index
        %swap3A_316 = tpu.vector_load %arg7[%swap3A_313, %swap3A_314, %swap3A_315] {strides = array<i32>} : memref<2x128x64xf32, #tpu.memory_space<vmem>>, vector<1x1x16xf32>,
        %swap3A_317 = vector.shape_cast %swap3A_316 : vector<1x1x16xf32> to vector<16xf32>
        %swap3A_318 = vector.shape_cast %get3A_312 : vector<16xf32> to vector<1x1x16xf32>
        tpu.vector_store %arg7[%swap3A_313, %swap3A_314, %swap3A_315], %swap3A_318 {strides = array<i32>} : memref<2x128x64xf32, #tpu.memory_space<vmem>>, vector<1x1x16xf32>,
        %get3A_319 = arith.constant 0 : i32
        %get3A_320 = arith.index_cast %get3A_319 : i32 to index
        %get3A_321 = arith.index_cast %scan3A_307 : i32 to index
        %get3A_322 = arith.constant 16 : index
        %get3A_323 = tpu.vector_load %arg6[%get3A_320, %get3A_321, %get3A_322] {strides = array<i32>} : memref<2x128x128xf32, #tpu.memory_space<vmem>>, vector<1x1x16xf32>,
        %get3A_324 = vector.shape_cast %get3A_323 : vector<1x1x16xf32> to vector<16xf32>
        %swap3A_325 = arith.constant 0 : i32
        %swap3A_326 = arith.index_cast %swap3A_325 : i32 to index
        %swap3A_327 = arith.index_cast %scan3A_307 : i32 to index
        %swap3A_328 = arith.constant 16 : index
        %swap3A_329 = tpu.vector_load %arg7[%swap3A_326, %swap3A_327, %swap3A_328] {strides = array<i32>} : memref<2x128x64xf32, #tpu.memory_space<vmem>>, vector<1x1x16xf32>,
        %swap3A_330 = vector.shape_cast %swap3A_329 : vector<1x1x16xf32> to vector<16xf32>
        %swap3A_331 = vector.shape_cast %get3A_324 : vector<16xf32> to vector<1x1x16xf32>
        tpu.vector_store %arg7[%swap3A_326, %swap3A_327, %swap3A_328], %swap3A_331 {strides = array<i32>} : memref<2x128x64xf32, #tpu.memory_space<vmem>>, vector<1x1x16xf32>,
        %get3A_332 = arith.constant 0 : i32
        %get3A_333 = arith.index_cast %get3A_332 : i32 to index
        %get3A_334 = arith.index_cast %scan3A_307 : i32 to index
        %get3A_335 = arith.constant 32 : index
        %get3A_336 = tpu.vector_load %arg6[%get3A_333, %get3A_334, %get3A_335] {strides = array<i32>} : memref<2x128x128xf32, #tpu.memory_space<vmem>>, vector<1x1x16xf32>,
        %get3A_337 = vector.shape_cast %get3A_336 : vector<1x1x16xf32> to vector<16xf32>
        %swap3A_338 = arith.constant 0 : i32
        %swap3A_339 = arith.index_cast %swap3A_338 : i32 to index
        %swap3A_340 = arith.index_cast %scan3A_307 : i32 to index
        %swap3A_341 = arith.constant 32 : index
        %swap3A_342 = tpu.vector_load %arg7[%swap3A_339, %swap3A_340, %swap3A_341] {strides = array<i32>} : memref<2x128x64xf32, #tpu.memory_space<vmem>>, vector<1x1x16xf32>,
        %swap3A_343 = vector.shape_cast %swap3A_342 : vector<1x1x16xf32> to vector<16xf32>
        %swap3A_344 = vector.shape_cast %get3A_337 : vector<16xf32> to vector<1x1x16xf32>
        tpu.vector_store %arg7[%swap3A_339, %swap3A_340, %swap3A_341], %swap3A_344 {strides = array<i32>} : memref<2x128x64xf32, #tpu.memory_space<vmem>>, vector<1x1x16xf32>,
        %get3A_345 = arith.constant 0 : i32
        %get3A_346 = arith.index_cast %get3A_345 : i32 to index
        %get3A_347 = arith.index_cast %scan3A_307 : i32 to index
        %get3A_348 = arith.constant 48 : index
        %get3A_349 = tpu.vector_load %arg6[%get3A_346, %get3A_347, %get3A_348] {strides = array<i32>} : memref<2x128x128xf32, #tpu.memory_space<vmem>>, vector<1x1x16xf32>,
        %get3A_350 = vector.shape_cast %get3A_349 : vector<1x1x16xf32> to vector<16xf32>
        %swap3A_351 = arith.constant 0 : i32
        %swap3A_352 = arith.index_cast %swap3A_351 : i32 to index
        %swap3A_353 = arith.index_cast %scan3A_307 : i32 to index
        %swap3A_354 = arith.constant 48 : index
        %swap3A_355 = tpu.vector_load %arg7[%swap3A_352, %swap3A_353, %swap3A_354] {strides = array<i32>} : memref<2x128x64xf32, #tpu.memory_space<vmem>>, vector<1x1x16xf32>,
        %swap3A_356 = vector.shape_cast %swap3A_355 : vector<1x1x16xf32> to vector<16xf32>
        %swap3A_357 = vector.shape_cast %get3A_350 : vector<16xf32> to vector<1x1x16xf32>
        tpu.vector_store %arg7[%swap3A_352, %swap3A_353, %swap3A_354], %swap3A_357 {strides = array<i32>} : memref<2x128x64xf32, #tpu.memory_space<vmem>>, vector<1x1x16xf32>,
      }
      %scan3A_116 = arith.constant 128 : i32
      %jit3A_117 = arith.constant 4 : i32
      %div3A_118 = arith.divsi %add3A_59, %jit3A_117 : i32
      %sign3A_119 = arith.constant 0 : i32
      %sign3A_120 = arith.cmpi sgt, %add3A_59, %sign3A_119 : i32
      %sign3A_121 = arith.extui %sign3A_120 : i1 to i32
      %sign3A_122 = arith.constant 0 : i32
      %sign3A_123 = arith.cmpi slt, %add3A_59, %sign3A_122 : i32
      %sign3A_124 = arith.extui %sign3A_123 : i1 to i32
      %sign3A_125 = arith.subi %sign3A_121, %sign3A_124 : i32
      %sign3A_126 = arith.constant 0 : i32
      %sign3A_127 = arith.cmpi sgt, %jit3A_117, %sign3A_126 : i32
      %sign3A_128 = arith.extui %sign3A_127 : i1 to i32
      %sign3A_129 = arith.constant 0 : i32
      %sign3A_130 = arith.cmpi slt, %jit3A_117, %sign3A_129 : i32
      %sign3A_131 = arith.extui %sign3A_130 : i1 to i32
      %sign3A_132 = arith.subi %sign3A_128, %sign3A_131 : i32
      %ne3A_133 = arith.cmpi ne, %sign3A_125, %sign3A_132 : i32
      %rem3A_134 = arith.remsi %add3A_59, %jit3A_117 : i32
      %ne3A_135 = arith.constant 0 : i32
      %ne3A_136 = arith.cmpi ne, %rem3A_134, %ne3A_135 : i32
      %and3A_137 = arith.andi %ne3A_133, %ne3A_136 : i1
      %sub3A_138 = arith.constant 1 : i32
      %sub3A_139 = arith.subi %div3A_118, %sub3A_138 : i32
      %select_n3A_140 = arith.select %and3A_137, %sub3A_139, %div3A_118 : i32
      %jit3A_141 = arith.constant 4 : i32
      %eq3A_142 = arith.constant 0 : i32
      %eq3A_143 = arith.cmpi eq, %jit3A_141, %eq3A_142 : i32
      %jit3A_144 = arith.constant 1 : i32
      %select_n3A_145 = arith.select %eq3A_143, %jit3A_144, %jit3A_141 : i32
      %rem3A_146 = arith.remsi %add3A_59, %select_n3A_145 : i32
      %ne3A_147 = arith.constant 0 : i32
      %ne3A_148 = arith.cmpi ne, %rem3A_146, %ne3A_147 : i32
      %lt3A_149 = arith.constant 0 : i32
      %lt3A_150 = arith.cmpi slt, %rem3A_146, %lt3A_149 : i32
      %lt3A_151 = arith.constant 0 : i32
      %lt3A_152 = arith.cmpi slt, %select_n3A_145, %lt3A_151 : i32
      %ne3A_153 = arith.xori %lt3A_150, %lt3A_152 : i1
      %and3A_154 = arith.andi %ne3A_153, %ne3A_148 : i1
      %add3A_155 = arith.addi %rem3A_146, %select_n3A_145 : i32
      %select_n3A_156 = arith.select %and3A_154, %add3A_155, %rem3A_146 : i32
      %mul3A_157 = arith.constant 128 : i32
      %mul3A_158 = arith.muli %select_n3A_156, %mul3A_157 : i32
      %add3A_159 = arith.addi %mul3A_2, %mul3A_158 : i32
      %multiple_of3A_160 = tpu.assume_multiple %add3A_159, 128 : i32
      %dma_start3A_161 = arith.constant 0 : i32
      %dma_start3A_162 = arith.constant 0 : i32
      %dma_start3A_163 = arith.constant 0 : i32
      %dma_start3A_164 = tpu.memref_slice %arg7[%dma_start3A_161, %dma_start3A_162, %dma_start3A_163] : memref<2x128x64xf32, #tpu.memory_space<vmem>> -> memref<1x128x64xf32, #tpu.memory_space<vmem>>
      %dma_start3A_165 = tpu.memref_squeeze %dma_start3A_164 : memref<1x128x64xf32, #tpu.memory_space<vmem>> -> memref<128x64xf32, #tpu.memory_space<vmem>>
      %dma_start3A_166 = arith.constant 0 : i32
      %dma_start3A_167 = tpu.memref_slice %arg4[%select_n3A_140, %multiple_of3A_160, %dma_start3A_166] : memref<20x16384x64xf32, #tpu.memory_space<hbm>> -> memref<1x128x64xf32, #tpu.memory_space<hbm>>
      %dma_start3A_168 = tpu.memref_squeeze %dma_start3A_167 : memref<1x128x64xf32, #tpu.memory_space<hbm>> -> memref<128x64xf32, #tpu.memory_space<hbm>>
      %dma_start3A_169 = arith.constant 0 : i32
      %dma_start3A_170 = tpu.memref_slice %arg4[%select_n3A_140, %multiple_of3A_160, %dma_start3A_169] : memref<20x16384x64xf32, #tpu.memory_space<hbm>> -> memref<1x128x64xf32, #tpu.memory_space<hbm>>
      %dma_start3A_171 = tpu.memref_squeeze %dma_start3A_170 : memref<1x128x64xf32, #tpu.memory_space<hbm>> -> memref<128x64xf32, #tpu.memory_space<hbm>>
      %dma_start3A_172 = arith.constant 0 : i32
      %dma_start3A_173 = arith.constant 0 : i32
      %dma_start3A_174 = tpu.memref_slice %arg7[%dma_start3A_161, %dma_start3A_172, %dma_start3A_173] : memref<2x128x64xf32, #tpu.memory_space<vmem>> -> memref<1x128x64xf32, #tpu.memory_space<vmem>>
      %dma_start3A_175 = tpu.memref_squeeze %dma_start3A_174 : memref<1x128x64xf32, #tpu.memory_space<vmem>> -> memref<128x64xf32, #tpu.memory_space<vmem>>
      tpu.enqueue_dma source(%dma_start3A_175 : memref<128x64xf32, #tpu.memory_space<vmem>>) target(%dma_start3A_171 : memref<128x64xf32, #tpu.memory_space<hbm>>) target_semaphore(%arg10 : memref<!tpu.dma_semaphore, #tpu.memory_space<semaphore_mem>>)
      %add3A_176 = arith.constant 1 : i32
      %add3A_177 = arith.addi %mul3A_57, %add3A_176 : i32
      %jit3A_178 = arith.constant 4 : i32
      %div3A_179 = arith.divsi %add3A_177, %jit3A_178 : i32
      %sign3A_180 = arith.constant 0 : i32
      %sign3A_181 = arith.cmpi sgt, %add3A_177, %sign3A_180 : i32
      %sign3A_182 = arith.extui %sign3A_181 : i1 to i32
      %sign3A_183 = arith.constant 0 : i32
      %sign3A_184 = arith.cmpi slt, %add3A_177, %sign3A_183 : i32
      %sign3A_185 = arith.extui %sign3A_184 : i1 to i32
      %sign3A_186 = arith.subi %sign3A_182, %sign3A_185 : i32
      %sign3A_187 = arith.constant 0 : i32
      %sign3A_188 = arith.cmpi sgt, %jit3A_178, %sign3A_187 : i32
      %sign3A_189 = arith.extui %sign3A_188 : i1 to i32
      %sign3A_190 = arith.constant 0 : i32
      %sign3A_191 = arith.cmpi slt, %jit3A_178, %sign3A_190 : i32
      %sign3A_192 = arith.extui %sign3A_191 : i1 to i32
      %sign3A_193 = arith.subi %sign3A_189, %sign3A_192 : i32
      %ne3A_194 = arith.cmpi ne, %sign3A_186, %sign3A_193 : i32
      %rem3A_195 = arith.remsi %add3A_177, %jit3A_178 : i32
      %ne3A_196 = arith.constant 0 : i32
      %ne3A_197 = arith.cmpi ne, %rem3A_195, %ne3A_196 : i32
      %and3A_198 = arith.andi %ne3A_194, %ne3A_197 : i1
      %sub3A_199 = arith.constant 1 : i32
      %sub3A_200 = arith.subi %div3A_179, %sub3A_199 : i32
      %select_n3A_201 = arith.select %and3A_198, %sub3A_200, %div3A_179 : i32
      %jit3A_202 = arith.constant 4 : i32
      %eq3A_203 = arith.constant 0 : i32
      %eq3A_204 = arith.cmpi eq, %jit3A_202, %eq3A_203 : i32
      %jit3A_205 = arith.constant 1 : i32
      %select_n3A_206 = arith.select %eq3A_204, %jit3A_205, %jit3A_202 : i32
      %rem3A_207 = arith.remsi %add3A_177, %select_n3A_206 : i32
      %ne3A_208 = arith.constant 0 : i32
      %ne3A_209 = arith.cmpi ne, %rem3A_207, %ne3A_208 : i32
      %lt3A_210 = arith.constant 0 : i32
      %lt3A_211 = arith.cmpi slt, %rem3A_207, %lt3A_210 : i32
      %lt3A_212 = arith.constant 0 : i32
      %lt3A_213 = arith.cmpi slt, %select_n3A_206, %lt3A_212 : i32
      %ne3A_214 = arith.xori %lt3A_211, %lt3A_213 : i1
      %and3A_215 = arith.andi %ne3A_214, %ne3A_209 : i1
      %add3A_216 = arith.addi %rem3A_207, %select_n3A_206 : i32
      %select_n3A_217 = arith.select %and3A_215, %add3A_216, %rem3A_207 : i32
      %mul3A_218 = arith.constant 128 : i32
      %mul3A_219 = arith.muli %select_n3A_217, %mul3A_218 : i32
      %dma_wait3A_220 = arith.constant 1 : i32
      %dma_wait3A_221 = arith.constant 0 : i32
      %dma_wait3A_222 = arith.constant 0 : i32
      %dma_wait3A_223 = tpu.memref_slice %arg6[%dma_wait3A_220, %dma_wait3A_221, %dma_wait3A_222] : memref<2x128x128xf32, #tpu.memory_space<vmem>> -> memref<1x128x128xf32, #tpu.memory_space<vmem>>
      %dma_wait3A_224 = tpu.memref_squeeze %dma_wait3A_223 : memref<1x128x128xf32, #tpu.memory_space<vmem>> -> memref<128x128xf32, #tpu.memory_space<vmem>>
      %dma_wait3A_225 = tpu.memref_slice %arg5[%select_n3A_201, %mul3A_219] : memref<20x512xi32, #tpu.memory_space<vmem>> -> memref<1x128xi32, #tpu.memory_space<vmem>>
      %dma_wait3A_226 = tpu.memref_squeeze %dma_wait3A_225 : memref<1x128xi32, #tpu.memory_space<vmem>> -> memref<128xi32, #tpu.memory_space<vmem>>
      %dma_wait3A_227 = arith.constant 0 : i32
      %dma_wait3A_228 = arith.constant 0 : i32
      %dma_wait3A_229 = tpu.memref_slice %arg2[%dma_wait3A_227, %dma_wait3A_228] : memref<100000x128xf32, #tpu.memory_space<hbm>> -> memref<100000x128xf32, #tpu.memory_space<hbm>>
      tpu.wait_indirect_dma semaphore(%arg9 : memref<!tpu.dma_semaphore, #tpu.memory_space<semaphore_mem>>) src(%dma_wait3A_229 : memref<100000x128xf32, #tpu.memory_space<hbm>>) dst(%dma_wait3A_224 : memref<128x128xf32, #tpu.memory_space<vmem>>)
      %add3A_230 = arith.constant 1 : i32
      %add3A_231 = arith.addi %add3A_177, %add3A_230 : i32
      %lt3A_232 = arith.constant 80 : i32
      %lt3A_233 = arith.cmpi slt, %add3A_231, %lt3A_232 : i32
      %convert_element_type3A_234 = arith.extui %lt3A_233 : i1 to i32
      %cond3A_235 = arith.constant 0 : i32
      %cond3A_236 = arith.cmpi ne, %convert_element_type3A_234, %cond3A_235 : i32
      scf.if %cond3A_236 {
        %add3A_307 = arith.constant 1 : i32
        %add3A_308 = arith.addi %add3A_177, %add3A_307 : i32
        %jit3A_309 = arith.constant 4 : i32
        %div3A_310 = arith.divsi %add3A_308, %jit3A_309 : i32
        %sign3A_311 = arith.constant 0 : i32
        %sign3A_312 = arith.cmpi sgt, %add3A_308, %sign3A_311 : i32
        %sign3A_313 = arith.extui %sign3A_312 : i1 to i32
        %sign3A_314 = arith.constant 0 : i32
        %sign3A_315 = arith.cmpi slt, %add3A_308, %sign3A_314 : i32
        %sign3A_316 = arith.extui %sign3A_315 : i1 to i32
        %sign3A_317 = arith.subi %sign3A_313, %sign3A_316 : i32
        %sign3A_318 = arith.constant 0 : i32
        %sign3A_319 = arith.cmpi sgt, %jit3A_309, %sign3A_318 : i32
        %sign3A_320 = arith.extui %sign3A_319 : i1 to i32
        %sign3A_321 = arith.constant 0 : i32
        %sign3A_322 = arith.cmpi slt, %jit3A_309, %sign3A_321 : i32
        %sign3A_323 = arith.extui %sign3A_322 : i1 to i32
        %sign3A_324 = arith.subi %sign3A_320, %sign3A_323 : i32
        %ne3A_325 = arith.cmpi ne, %sign3A_317, %sign3A_324 : i32
        %rem3A_326 = arith.remsi %add3A_308, %jit3A_309 : i32
        %ne3A_327 = arith.constant 0 : i32
        %ne3A_328 = arith.cmpi ne, %rem3A_326, %ne3A_327 : i32
        %and3A_329 = arith.andi %ne3A_325, %ne3A_328 : i1
        %sub3A_330 = arith.constant 1 : i32
        %sub3A_331 = arith.subi %div3A_310, %sub3A_330 : i32
        %select_n3A_332 = arith.select %and3A_329, %sub3A_331, %div3A_310 : i32
        %jit3A_333 = arith.constant 4 : i32
        %eq3A_334 = arith.constant 0 : i32
        %eq3A_335 = arith.cmpi eq, %jit3A_333, %eq3A_334 : i32
        %jit3A_336 = arith.constant 1 : i32
        %select_n3A_337 = arith.select %eq3A_335, %jit3A_336, %jit3A_333 : i32
        %rem3A_338 = arith.remsi %add3A_308, %select_n3A_337 : i32
        %ne3A_339 = arith.constant 0 : i32
        %ne3A_340 = arith.cmpi ne, %rem3A_338, %ne3A_339 : i32
        %lt3A_341 = arith.constant 0 : i32
        %lt3A_342 = arith.cmpi slt, %rem3A_338, %lt3A_341 : i32
        %lt3A_343 = arith.constant 0 : i32
        %lt3A_344 = arith.cmpi slt, %select_n3A_337, %lt3A_343 : i32
        %ne3A_345 = arith.xori %lt3A_342, %lt3A_344 : i1
        %and3A_346 = arith.andi %ne3A_345, %ne3A_340 : i1
        %add3A_347 = arith.addi %rem3A_338, %select_n3A_337 : i32
        %select_n3A_348 = arith.select %and3A_346, %add3A_347, %rem3A_338 : i32
        %mul3A_349 = arith.constant 128 : i32
        %mul3A_350 = arith.muli %select_n3A_348, %mul3A_349 : i32
        %dma_start3A_351 = arith.constant 0 : i32
        %dma_start3A_352 = arith.constant 0 : i32
        %dma_start3A_353 = arith.constant 0 : i32
        %dma_start3A_354 = tpu.memref_slice %arg6[%dma_start3A_351, %dma_start3A_352, %dma_start3A_353] : memref<2x128x128xf32, #tpu.memory_space<vmem>> -> memref<1x128x128xf32, #tpu.memory_space<vmem>>
        %dma_start3A_355 = tpu.memref_squeeze %dma_start3A_354 : memref<1x128x128xf32, #tpu.memory_space<vmem>> -> memref<128x128xf32, #tpu.memory_space<vmem>>
        %dma_start3A_356 = tpu.memref_slice %arg5[%select_n3A_332, %mul3A_350] : memref<20x512xi32, #tpu.memory_space<vmem>> -> memref<1x128xi32, #tpu.memory_space<vmem>>
        %dma_start3A_357 = tpu.memref_squeeze %dma_start3A_356 : memref<1x128xi32, #tpu.memory_space<vmem>> -> memref<128xi32, #tpu.memory_space<vmem>>
        %dma_start3A_358 = arith.constant 0 : i32
        %dma_start3A_359 = arith.constant 0 : i32
        %dma_start3A_360 = tpu.memref_slice %arg2[%dma_start3A_358, %dma_start3A_359] : memref<100000x128xf32, #tpu.memory_space<hbm>> -> memref<100000x128xf32, #tpu.memory_space<hbm>>
        tpu.enqueue_indirect_dma source(%dma_start3A_360 : memref<100000x128xf32, #tpu.memory_space<hbm>>) target(%dma_start3A_355 : memref<128x128xf32, #tpu.memory_space<vmem>>) offsets(%dma_start3A_357 : memref<128xi32, #tpu.memory_space<vmem>>) semaphore(%arg8 : memref<!tpu.dma_semaphore, #tpu.memory_space<semaphore_mem>>)
      } else {
      }
      %ge3A_237 = arith.constant 2 : i32
      %ge3A_238 = arith.cmpi sge, %add3A_177, %ge3A_237 : i32
      %convert_element_type3A_239 = arith.extui %ge3A_238 : i1 to i32
      %cond3A_240 = arith.constant 0 : i32
      %cond3A_241 = arith.cmpi ne, %convert_element_type3A_239, %cond3A_240 : i32
      scf.if %cond3A_241 {
        %sub3A_307 = arith.constant 2 : i32
        %sub3A_308 = arith.subi %add3A_177, %sub3A_307 : i32
        %jit3A_309 = arith.constant 4 : i32
        %div3A_310 = arith.divsi %sub3A_308, %jit3A_309 : i32
        %sign3A_311 = arith.constant 0 : i32
        %sign3A_312 = arith.cmpi sgt, %sub3A_308, %sign3A_311 : i32
        %sign3A_313 = arith.extui %sign3A_312 : i1 to i32
        %sign3A_314 = arith.constant 0 : i32
        %sign3A_315 = arith.cmpi slt, %sub3A_308, %sign3A_314 : i32
        %sign3A_316 = arith.extui %sign3A_315 : i1 to i32
        %sign3A_317 = arith.subi %sign3A_313, %sign3A_316 : i32
        %sign3A_318 = arith.constant 0 : i32
        %sign3A_319 = arith.cmpi sgt, %jit3A_309, %sign3A_318 : i32
        %sign3A_320 = arith.extui %sign3A_319 : i1 to i32
        %sign3A_321 = arith.constant 0 : i32
        %sign3A_322 = arith.cmpi slt, %jit3A_309, %sign3A_321 : i32
        %sign3A_323 = arith.extui %sign3A_322 : i1 to i32
        %sign3A_324 = arith.subi %sign3A_320, %sign3A_323 : i32
        %ne3A_325 = arith.cmpi ne, %sign3A_317, %sign3A_324 : i32
        %rem3A_326 = arith.remsi %sub3A_308, %jit3A_309 : i32
        %ne3A_327 = arith.constant 0 : i32
        %ne3A_328 = arith.cmpi ne, %rem3A_326, %ne3A_327 : i32
        %and3A_329 = arith.andi %ne3A_325, %ne3A_328 : i1
        %sub3A_330 = arith.constant 1 : i32
        %sub3A_331 = arith.subi %div3A_310, %sub3A_330 : i32
        %select_n3A_332 = arith.select %and3A_329, %sub3A_331, %div3A_310 : i32
        %jit3A_333 = arith.constant 4 : i32
        %eq3A_334 = arith.constant 0 : i32
        %eq3A_335 = arith.cmpi eq, %jit3A_333, %eq3A_334 : i32
        %jit3A_336 = arith.constant 1 : i32
        %select_n3A_337 = arith.select %eq3A_335, %jit3A_336, %jit3A_333 : i32
        %rem3A_338 = arith.remsi %sub3A_308, %select_n3A_337 : i32
        %ne3A_339 = arith.constant 0 : i32
        %ne3A_340 = arith.cmpi ne, %rem3A_338, %ne3A_339 : i32
        %lt3A_341 = arith.constant 0 : i32
        %lt3A_342 = arith.cmpi slt, %rem3A_338, %lt3A_341 : i32
        %lt3A_343 = arith.constant 0 : i32
        %lt3A_344 = arith.cmpi slt, %select_n3A_337, %lt3A_343 : i32
        %ne3A_345 = arith.xori %lt3A_342, %lt3A_344 : i1
        %and3A_346 = arith.andi %ne3A_345, %ne3A_340 : i1
        %add3A_347 = arith.addi %rem3A_338, %select_n3A_337 : i32
        %select_n3A_348 = arith.select %and3A_346, %add3A_347, %rem3A_338 : i32
        %mul3A_349 = arith.constant 128 : i32
        %mul3A_350 = arith.muli %select_n3A_348, %mul3A_349 : i32
        %add3A_351 = arith.addi %mul3A_2, %mul3A_350 : i32
        %multiple_of3A_352 = tpu.assume_multiple %add3A_351, 128 : i32
        %dma_wait3A_353 = arith.constant 1 : i32
        %dma_wait3A_354 = arith.constant 0 : i32
        %dma_wait3A_355 = arith.constant 0 : i32
        %dma_wait3A_356 = tpu.memref_slice %arg7[%dma_wait3A_353, %dma_wait3A_354, %dma_wait3A_355] : memref<2x128x64xf32, #tpu.memory_space<vmem>> -> memref<1x128x64xf32, #tpu.memory_space<vmem>>
        %dma_wait3A_357 = tpu.memref_squeeze %dma_wait3A_356 : memref<1x128x64xf32, #tpu.memory_space<vmem>> -> memref<128x64xf32, #tpu.memory_space<vmem>>
        %dma_wait3A_358 = arith.constant 0 : i32
        %dma_wait3A_359 = tpu.memref_slice %arg4[%select_n3A_332, %multiple_of3A_352, %dma_wait3A_358] : memref<20x16384x64xf32, #tpu.memory_space<hbm>> -> memref<1x128x64xf32, #tpu.memory_space<hbm>>
        %dma_wait3A_360 = tpu.memref_squeeze %dma_wait3A_359 : memref<1x128x64xf32, #tpu.memory_space<hbm>> -> memref<128x64xf32, #tpu.memory_space<hbm>>
        %dma_wait3A_361 = arith.constant 0 : i32
        %dma_wait3A_362 = tpu.memref_slice %arg4[%select_n3A_332, %multiple_of3A_352, %dma_wait3A_361] : memref<20x16384x64xf32, #tpu.memory_space<hbm>> -> memref<1x128x64xf32, #tpu.memory_space<hbm>>
        %dma_wait3A_363 = tpu.memref_squeeze %dma_wait3A_362 : memref<1x128x64xf32, #tpu.memory_space<hbm>> -> memref<128x64xf32, #tpu.memory_space<hbm>>
        %dma_wait3A_364 = arith.constant 0 : i32
        %dma_wait3A_365 = arith.constant 0 : i32
        %dma_wait3A_366 = tpu.memref_slice %arg7[%dma_wait3A_353, %dma_wait3A_364, %dma_wait3A_365] : memref<2x128x64xf32, #tpu.memory_space<vmem>> -> memref<1x128x64xf32, #tpu.memory_space<vmem>>
        %dma_wait3A_367 = tpu.memref_squeeze %dma_wait3A_366 : memref<1x128x64xf32, #tpu.memory_space<vmem>> -> memref<128x64xf32, #tpu.memory_space<vmem>>
        tpu.wait_dma2 semaphore(%arg11 : memref<!tpu.dma_semaphore, #tpu.memory_space<semaphore_mem>>) src(%dma_wait3A_367 : memref<128x64xf32, #tpu.memory_space<vmem>>) dst(%dma_wait3A_363 : memref<128x64xf32, #tpu.memory_space<hbm>>)
      } else {
      }
      %scan3A_242 = arith.constant 0 : i32
      %scan3A_243 = arith.constant 0 : i32
      %scan3A_244 = arith.constant 128 : i32
      %scan3A_245 = arith.addi %scan3A_243, %scan3A_244 : i32
      %scan3A_246 = arith.constant 1 : i32
      scf.for %scan3A_307 = %scan3A_243 to %scan3A_245 step %scan3A_246  : i32 {
        %get3A = arith.constant 1 : i32
        %get3A_308 = arith.index_cast %get3A : i32 to index
        %get3A_309 = arith.index_cast %scan3A_307 : i32 to index
        %get3A_310 = arith.constant 0 : index
        %get3A_311 = tpu.vector_load %arg6[%get3A_308, %get3A_309, %get3A_310] {strides = array<i32>} : memref<2x128x128xf32, #tpu.memory_space<vmem>>, vector<1x1x16xf32>,
        %get3A_312 = vector.shape_cast %get3A_311 : vector<1x1x16xf32> to vector<16xf32>
        %swap3A = arith.constant 1 : i32
        %swap3A_313 = arith.index_cast %swap3A : i32 to index
        %swap3A_314 = arith.index_cast %scan3A_307 : i32 to index
        %swap3A_315 = arith.constant 0 : index
        %swap3A_316 = tpu.vector_load %arg7[%swap3A_313, %swap3A_314, %swap3A_315] {strides = array<i32>} : memref<2x128x64xf32, #tpu.memory_space<vmem>>, vector<1x1x16xf32>,
        %swap3A_317 = vector.shape_cast %swap3A_316 : vector<1x1x16xf32> to vector<16xf32>
        %swap3A_318 = vector.shape_cast %get3A_312 : vector<16xf32> to vector<1x1x16xf32>
        tpu.vector_store %arg7[%swap3A_313, %swap3A_314, %swap3A_315], %swap3A_318 {strides = array<i32>} : memref<2x128x64xf32, #tpu.memory_space<vmem>>, vector<1x1x16xf32>,
        %get3A_319 = arith.constant 1 : i32
        %get3A_320 = arith.index_cast %get3A_319 : i32 to index
        %get3A_321 = arith.index_cast %scan3A_307 : i32 to index
        %get3A_322 = arith.constant 16 : index
        %get3A_323 = tpu.vector_load %arg6[%get3A_320, %get3A_321, %get3A_322] {strides = array<i32>} : memref<2x128x128xf32, #tpu.memory_space<vmem>>, vector<1x1x16xf32>,
        %get3A_324 = vector.shape_cast %get3A_323 : vector<1x1x16xf32> to vector<16xf32>
        %swap3A_325 = arith.constant 1 : i32
        %swap3A_326 = arith.index_cast %swap3A_325 : i32 to index
        %swap3A_327 = arith.index_cast %scan3A_307 : i32 to index
        %swap3A_328 = arith.constant 16 : index
        %swap3A_329 = tpu.vector_load %arg7[%swap3A_326, %swap3A_327, %swap3A_328] {strides = array<i32>} : memref<2x128x64xf32, #tpu.memory_space<vmem>>, vector<1x1x16xf32>,
        %swap3A_330 = vector.shape_cast %swap3A_329 : vector<1x1x16xf32> to vector<16xf32>
        %swap3A_331 = vector.shape_cast %get3A_324 : vector<16xf32> to vector<1x1x16xf32>
        tpu.vector_store %arg7[%swap3A_326, %swap3A_327, %swap3A_328], %swap3A_331 {strides = array<i32>} : memref<2x128x64xf32, #tpu.memory_space<vmem>>, vector<1x1x16xf32>,
        %get3A_332 = arith.constant 1 : i32
        %get3A_333 = arith.index_cast %get3A_332 : i32 to index
        %get3A_334 = arith.index_cast %scan3A_307 : i32 to index
        %get3A_335 = arith.constant 32 : index
        %get3A_336 = tpu.vector_load %arg6[%get3A_333, %get3A_334, %get3A_335] {strides = array<i32>} : memref<2x128x128xf32, #tpu.memory_space<vmem>>, vector<1x1x16xf32>,
        %get3A_337 = vector.shape_cast %get3A_336 : vector<1x1x16xf32> to vector<16xf32>
        %swap3A_338 = arith.constant 1 : i32
        %swap3A_339 = arith.index_cast %swap3A_338 : i32 to index
        %swap3A_340 = arith.index_cast %scan3A_307 : i32 to index
        %swap3A_341 = arith.constant 32 : index
        %swap3A_342 = tpu.vector_load %arg7[%swap3A_339, %swap3A_340, %swap3A_341] {strides = array<i32>} : memref<2x128x64xf32, #tpu.memory_space<vmem>>, vector<1x1x16xf32>,
        %swap3A_343 = vector.shape_cast %swap3A_342 : vector<1x1x16xf32> to vector<16xf32>
        %swap3A_344 = vector.shape_cast %get3A_337 : vector<16xf32> to vector<1x1x16xf32>
        tpu.vector_store %arg7[%swap3A_339, %swap3A_340, %swap3A_341], %swap3A_344 {strides = array<i32>} : memref<2x128x64xf32, #tpu.memory_space<vmem>>, vector<1x1x16xf32>,
        %get3A_345 = arith.constant 1 : i32
        %get3A_346 = arith.index_cast %get3A_345 : i32 to index
        %get3A_347 = arith.index_cast %scan3A_307 : i32 to index
        %get3A_348 = arith.constant 48 : index
        %get3A_349 = tpu.vector_load %arg6[%get3A_346, %get3A_347, %get3A_348] {strides = array<i32>} : memref<2x128x128xf32, #tpu.memory_space<vmem>>, vector<1x1x16xf32>,
        %get3A_350 = vector.shape_cast %get3A_349 : vector<1x1x16xf32> to vector<16xf32>
        %swap3A_351 = arith.constant 1 : i32
        %swap3A_352 = arith.index_cast %swap3A_351 : i32 to index
        %swap3A_353 = arith.index_cast %scan3A_307 : i32 to index
        %swap3A_354 = arith.constant 48 : index
        %swap3A_355 = tpu.vector_load %arg7[%swap3A_352, %swap3A_353, %swap3A_354] {strides = array<i32>} : memref<2x128x64xf32, #tpu.memory_space<vmem>>, vector<1x1x16xf32>,
        %swap3A_356 = vector.shape_cast %swap3A_355 : vector<1x1x16xf32> to vector<16xf32>
        %swap3A_357 = vector.shape_cast %get3A_350 : vector<16xf32> to vector<1x1x16xf32>
        tpu.vector_store %arg7[%swap3A_352, %swap3A_353, %swap3A_354], %swap3A_357 {strides = array<i32>} : memref<2x128x64xf32, #tpu.memory_space<vmem>>, vector<1x1x16xf32>,
      }
      %scan3A_247 = arith.constant 128 : i32
      %jit3A_248 = arith.constant 4 : i32
      %div3A_249 = arith.divsi %add3A_177, %jit3A_248 : i32
      %sign3A_250 = arith.constant 0 : i32
      %sign3A_251 = arith.cmpi sgt, %add3A_177, %sign3A_250 : i32
      %sign3A_252 = arith.extui %sign3A_251 : i1 to i32
      %sign3A_253 = arith.constant 0 : i32
      %sign3A_254 = arith.cmpi slt, %add3A_177, %sign3A_253 : i32
      %sign3A_255 = arith.extui %sign3A_254 : i1 to i32
      %sign3A_256 = arith.subi %sign3A_252, %sign3A_255 : i32
      %sign3A_257 = arith.constant 0 : i32
      %sign3A_258 = arith.cmpi sgt, %jit3A_248, %sign3A_257 : i32
      %sign3A_259 = arith.extui %sign3A_258 : i1 to i32
      %sign3A_260 = arith.constant 0 : i32
      %sign3A_261 = arith.cmpi slt, %jit3A_248, %sign3A_260 : i32
      %sign3A_262 = arith.extui %sign3A_261 : i1 to i32
      %sign3A_263 = arith.subi %sign3A_259, %sign3A_262 : i32
      %ne3A_264 = arith.cmpi ne, %sign3A_256, %sign3A_263 : i32
      %rem3A_265 = arith.remsi %add3A_177, %jit3A_248 : i32
      %ne3A_266 = arith.constant 0 : i32
      %ne3A_267 = arith.cmpi ne, %rem3A_265, %ne3A_266 : i32
      %and3A_268 = arith.andi %ne3A_264, %ne3A_267 : i1
      %sub3A_269 = arith.constant 1 : i32
      %sub3A_270 = arith.subi %div3A_249, %sub3A_269 : i32
      %select_n3A_271 = arith.select %and3A_268, %sub3A_270, %div3A_249 : i32
      %jit3A_272 = arith.constant 4 : i32
      %eq3A_273 = arith.constant 0 : i32
      %eq3A_274 = arith.cmpi eq, %jit3A_272, %eq3A_273 : i32
      %jit3A_275 = arith.constant 1 : i32
      %select_n3A_276 = arith.select %eq3A_274, %jit3A_275, %jit3A_272 : i32
      %rem3A_277 = arith.remsi %add3A_177, %select_n3A_276 : i32
      %ne3A_278 = arith.constant 0 : i32
      %ne3A_279 = arith.cmpi ne, %rem3A_277, %ne3A_278 : i32
      %lt3A_280 = arith.constant 0 : i32
      %lt3A_281 = arith.cmpi slt, %rem3A_277, %lt3A_280 : i32
      %lt3A_282 = arith.constant 0 : i32
      %lt3A_283 = arith.cmpi slt, %select_n3A_276, %lt3A_282 : i32
      %ne3A_284 = arith.xori %lt3A_281, %lt3A_283 : i1
      %and3A_285 = arith.andi %ne3A_284, %ne3A_279 : i1
      %add3A_286 = arith.addi %rem3A_277, %select_n3A_276 : i32
      %select_n3A_287 = arith.select %and3A_285, %add3A_286, %rem3A_277 : i32
      %mul3A_288 = arith.constant 128 : i32
      %mul3A_289 = arith.muli %select_n3A_287, %mul3A_288 : i32
      %add3A_290 = arith.addi %mul3A_2, %mul3A_289 : i32
      %multiple_of3A_291 = tpu.assume_multiple %add3A_290, 128 : i32
      %dma_start3A_292 = arith.constant 1 : i32
      %dma_start3A_293 = arith.constant 0 : i32
      %dma_start3A_294 = arith.constant 0 : i32
      %dma_start3A_295 = tpu.memref_slice %arg7[%dma_start3A_292, %dma_start3A_293, %dma_start3A_294] : memref<2x128x64xf32, #tpu.memory_space<vmem>> -> memref<1x128x64xf32, #tpu.memory_space<vmem>>
      %dma_start3A_296 = tpu.memref_squeeze %dma_start3A_295 : memref<1x128x64xf32, #tpu.memory_space<vmem>> -> memref<128x64xf32, #tpu.memory_space<vmem>>
      %dma_start3A_297 = arith.constant 0 : i32
      %dma_start3A_298 = tpu.memref_slice %arg4[%select_n3A_271, %multiple_of3A_291, %dma_start3A_297] : memref<20x16384x64xf32, #tpu.memory_space<hbm>> -> memref<1x128x64xf32, #tpu.memory_space<hbm>>
      %dma_start3A_299 = tpu.memref_squeeze %dma_start3A_298 : memref<1x128x64xf32, #tpu.memory_space<hbm>> -> memref<128x64xf32, #tpu.memory_space<hbm>>
      %dma_start3A_300 = arith.constant 0 : i32
      %dma_start3A_301 = tpu.memref_slice %arg4[%select_n3A_271, %multiple_of3A_291, %dma_start3A_300] : memref<20x16384x64xf32, #tpu.memory_space<hbm>> -> memref<1x128x64xf32, #tpu.memory_space<hbm>>
      %dma_start3A_302 = tpu.memref_squeeze %dma_start3A_301 : memref<1x128x64xf32, #tpu.memory_space<hbm>> -> memref<128x64xf32, #tpu.memory_space<hbm>>
      %dma_start3A_303 = arith.constant 0 : i32
      %dma_start3A_304 = arith.constant 0 : i32
      %dma_start3A_305 = tpu.memref_slice %arg7[%dma_start3A_292, %dma_start3A_303, %dma_start3A_304] : memref<2x128x64xf32, #tpu.memory_space<vmem>> -> memref<1x128x64xf32, #tpu.memory_space<vmem>>
      %dma_start3A_306 = tpu.memref_squeeze %dma_start3A_305 : memref<1x128x64xf32, #tpu.memory_space<vmem>> -> memref<128x64xf32, #tpu.memory_space<vmem>>
      tpu.enqueue_dma source(%dma_start3A_306 : memref<128x64xf32, #tpu.memory_space<vmem>>) target(%dma_start3A_302 : memref<128x64xf32, #tpu.memory_space<hbm>>) target_semaphore(%arg11 : memref<!tpu.dma_semaphore, #tpu.memory_space<semaphore_mem>>)
    }
    %scan3A_18 = arith.constant 40 : i32
    %add3A_19 = arith.constant 256 : i32
    %add3A_20 = arith.addi %mul3A_2, %add3A_19 : i32
    %multiple_of3A = tpu.assume_multiple %add3A_20, 128 : i32
    %dma_wait3A = arith.constant 0 : i32
    %dma_wait3A_21 = arith.constant 19 : i32
    %dma_wait3A_22 = arith.constant 0 : i32
    %dma_wait3A_23 = arith.constant 0 : i32
    %dma_wait3A_24 = tpu.memref_slice %arg7[%dma_wait3A, %dma_wait3A_22, %dma_wait3A_23] : memref<2x128x64xf32, #tpu.memory_space<vmem>> -> memref<1x128x64xf32, #tpu.memory_space<vmem>>
    %dma_wait3A_25 = tpu.memref_squeeze %dma_wait3A_24 : memref<1x128x64xf32, #tpu.memory_space<vmem>> -> memref<128x64xf32, #tpu.memory_space<vmem>>
    %dma_wait3A_26 = arith.constant 0 : i32
    %dma_wait3A_27 = tpu.memref_slice %arg4[%dma_wait3A_21, %multiple_of3A, %dma_wait3A_26] : memref<20x16384x64xf32, #tpu.memory_space<hbm>> -> memref<1x128x64xf32, #tpu.memory_space<hbm>>
    %dma_wait3A_28 = tpu.memref_squeeze %dma_wait3A_27 : memref<1x128x64xf32, #tpu.memory_space<hbm>> -> memref<128x64xf32, #tpu.memory_space<hbm>>
    %dma_wait3A_29 = arith.constant 0 : i32
    %dma_wait3A_30 = tpu.memref_slice %arg4[%dma_wait3A_21, %multiple_of3A, %dma_wait3A_29] : memref<20x16384x64xf32, #tpu.memory_space<hbm>> -> memref<1x128x64xf32, #tpu.memory_space<hbm>>
    %dma_wait3A_31 = tpu.memref_squeeze %dma_wait3A_30 : memref<1x128x64xf32, #tpu.memory_space<hbm>> -> memref<128x64xf32, #tpu.memory_space<hbm>>
    %dma_wait3A_32 = arith.constant 0 : i32
    %dma_wait3A_33 = arith.constant 0 : i32
    %dma_wait3A_34 = tpu.memref_slice %arg7[%dma_wait3A, %dma_wait3A_32, %dma_wait3A_33] : memref<2x128x64xf32, #tpu.memory_space<vmem>> -> memref<1x128x64xf32, #tpu.memory_space<vmem>>
    %dma_wait3A_35 = tpu.memref_squeeze %dma_wait3A_34 : memref<1x128x64xf32, #tpu.memory_space<vmem>> -> memref<128x64xf32, #tpu.memory_space<vmem>>
    tpu.wait_dma2 semaphore(%arg10 : memref<!tpu.dma_semaphore, #tpu.memory_space<semaphore_mem>>) src(%dma_wait3A_35 : memref<128x64xf32, #tpu.memory_space<vmem>>) dst(%dma_wait3A_31 : memref<128x64xf32, #tpu.memory_space<hbm>>)
    %add3A_36 = arith.constant 384 : i32
    %add3A_37 = arith.addi %mul3A_2, %add3A_36 : i32
    %multiple_of3A_38 = tpu.assume_multiple %add3A_37, 128 : i32
    %dma_wait3A_39 = arith.constant 1 : i32
    %dma_wait3A_40 = arith.constant 19 : i32
    %dma_wait3A_41 = arith.constant 0 : i32
    %dma_wait3A_42 = arith.constant 0 : i32
    %dma_wait3A_43 = tpu.memref_slice %arg7[%dma_wait3A_39, %dma_wait3A_41, %dma_wait3A_42] : memref<2x128x64xf32, #tpu.memory_space<vmem>> -> memref<1x128x64xf32, #tpu.memory_space<vmem>>
    %dma_wait3A_44 = tpu.memref_squeeze %dma_wait3A_43 : memref<1x128x64xf32, #tpu.memory_space<vmem>> -> memref<128x64xf32, #tpu.memory_space<vmem>>
    %dma_wait3A_45 = arith.constant 0 : i32
    %dma_wait3A_46 = tpu.memref_slice %arg4[%dma_wait3A_40, %multiple_of3A_38, %dma_wait3A_45] : memref<20x16384x64xf32, #tpu.memory_space<hbm>> -> memref<1x128x64xf32, #tpu.memory_space<hbm>>
    %dma_wait3A_47 = tpu.memref_squeeze %dma_wait3A_46 : memref<1x128x64xf32, #tpu.memory_space<hbm>> -> memref<128x64xf32, #tpu.memory_space<hbm>>
    %dma_wait3A_48 = arith.constant 0 : i32
    %dma_wait3A_49 = tpu.memref_slice %arg4[%dma_wait3A_40, %multiple_of3A_38, %dma_wait3A_48] : memref<20x16384x64xf32, #tpu.memory_space<hbm>> -> memref<1x128x64xf32, #tpu.memory_space<hbm>>
    %dma_wait3A_50 = tpu.memref_squeeze %dma_wait3A_49 : memref<1x128x64xf32, #tpu.memory_space<hbm>> -> memref<128x64xf32, #tpu.memory_space<hbm>>
    %dma_wait3A_51 = arith.constant 0 : i32
    %dma_wait3A_52 = arith.constant 0 : i32
    %dma_wait3A_53 = tpu.memref_slice %arg7[%dma_wait3A_39, %dma_wait3A_51, %dma_wait3A_52] : memref<2x128x64xf32, #tpu.memory_space<vmem>> -> memref<1x128x64xf32, #tpu.memory_space<vmem>>
    %dma_wait3A_54 = tpu.memref_squeeze %dma_wait3A_53 : memref<1x128x64xf32, #tpu.memory_space<vmem>> -> memref<128x64xf32, #tpu.memory_space<vmem>>
    tpu.wait_dma2 semaphore(%arg11 : memref<!tpu.dma_semaphore, #tpu.memory_space<semaphore_mem>>) src(%dma_wait3A_54 : memref<128x64xf32, #tpu.memory_space<vmem>>) dst(%dma_wait3A_50 : memref<128x64xf32, #tpu.memory_space<hbm>>)
    return
  }
}

module attributes {stable_mosaic.version = 14 : i64} {
  func.func @_build_table_body(%arg0: i32, %arg1: memref<64x8192xf32, #tpu.memory_space<vmem>>, %arg2: memref<16x8192xf32, #tpu.memory_space<vmem>>, %arg3: memref<80x64xf32, #tpu.memory_space<vmem>>, %arg4: memref<8192x128xf32, #tpu.memory_space<vmem>>) attributes {dimension_semantics = [#tpu.dimension_semantics<arbitrary>], iteration_bounds = array<i64: 13>, scalar_prefetch = 0 : i64, scratch_operands = 0 : i64, tpu.core_type = #tpu.core_type<tc>, window_params = [{transform_indices = @transform_0, window_bounds = array<i64: 64, 8192>}, {transform_indices = @transform_1, window_bounds = array<i64: 16, 8192>}, {pipeline_mode = #tpu.pipeline_mode<synchronous>, transform_indices = @transform_2, window_bounds = array<i64: 80, 64>}, {transform_indices = @transform_3, window_bounds = array<i64: 8192, 128>}]} {
    %get3A = arith.constant 0 : index
    %get3A_0 = arith.constant 0 : index
    %get3A_1 = vector.load %arg1[%get3A, %get3A_0] : memref<64x8192xf32, #tpu.memory_space<vmem>>, vector<64x8192xf32>
    %get3A_2 = arith.constant 0 : index
    %get3A_3 = arith.constant 0 : index
    %get3A_4 = vector.load %arg2[%get3A_2, %get3A_3] : memref<16x8192xf32, #tpu.memory_space<vmem>>, vector<16x8192xf32>
    %concatenate3A = tpu.concatenate %get3A_1, %get3A_4 in 0 : vector<64x8192xf32>, vector<16x8192xf32> -> vector<80x8192xf32>
    %get3A_5 = arith.constant 0 : index
    %get3A_6 = arith.constant 0 : index
    %get3A_7 = vector.load %arg3[%get3A_5, %get3A_6] : memref<80x64xf32, #tpu.memory_space<vmem>>, vector<80x64xf32>
    %dot_general3A = arith.constant dense<0.000000e+00> : vector<8192x64xf32>
    %dot_general3A_8 = tpu.matmul %concatenate3A, %get3A_7, %dot_general3A {dimension_numbers = #tpu.dot_dimension_numbers<[0], [0], [1], [1], [0, 1, 1, 1], [], []>, transpose_lhs_hint = false} : vector<80x8192xf32>, vector<80x64xf32>, vector<8192x64xf32> -> vector<8192x64xf32>
    %swap3A = arith.constant 0 : index
    %swap3A_9 = arith.constant 0 : index
    %swap3A_10 = vector.load %arg4[%swap3A, %swap3A_9] : memref<8192x128xf32, #tpu.memory_space<vmem>>, vector<8192x64xf32>
    tpu.vector_store %arg4[%swap3A, %swap3A_9], %dot_general3A_8 {strides = array<i32>} : memref<8192x128xf32, #tpu.memory_space<vmem>>, vector<8192x64xf32>,
    return
  }
  func.func @transform_0(%arg0: i32) -> (i32, i32) {
    %c0_i32 = arith.constant 0 : i32
    %c0_i32_0 = arith.constant 0 : i32
    return %c0_i32, %arg0 : i32, i32
  }
  func.func @transform_1(%arg0: i32) -> (i32, i32) {
    %c0_i32 = arith.constant 0 : i32
    %c0_i32_0 = arith.constant 0 : i32
    return %c0_i32, %arg0 : i32, i32
  }
  func.func @transform_2(%arg0: i32) -> (i32, i32) {
    %c0_i32 = arith.constant 0 : i32
    %c0_i32_0 = arith.constant 0 : i32
    %c0_i32_1 = arith.constant 0 : i32
    return %c0_i32, %c0_i32_0 : i32, i32
  }
  func.func @transform_3(%arg0: i32) -> (i32, i32) {
    %c0_i32 = arith.constant 0 : i32
    %c0_i32_0 = arith.constant 0 : i32
    return %arg0, %c0_i32 : i32, i32
  }
}

</mosaic_0001>

<sc_bundles>
// kernel: kernel.4.cloned.1.call-start
scs
__scs_entry_jumppad:
0x0: {  	(pc) =	sbr.rel $0x88, $3  }
0x1: {  	(tag) =	ssettag $0x0;
	lr =	simm.s32 $0x1  }
0x2: {  	[smem:$0x3F9D] =	sst lr;
	_ =	strace $0xD0000000  }
0x3: {  	_ = 	snop  }
0x4: {  	_ = 	snop  }
0x5: {  	_ = 	snop  }
0x6: {  	_ = 	snop  }
0x7: {  	_ = 	snop  }
__scs_overlays_trampoline_lowered:
0x8: {  	[smem:$0x3FAC] =	sst s0  }
0x9: {  	[smem:$0x3FAD] =	sst s1  }
0xa: {  	[smem:$0x3FAE] =	sst s2  }
0xb: {  	[smem:$0x3FAF] =	sst s3  }
0xc: {  	[smem:$0x3FB0] =	sst s4  }
0xd: {  	[smem:$0x3FB1] =	sst s5  }
0xe: {  	[smem:$0x3FB2] =	sst s6  }
0xf: {  	[smem:$0x3FB3] =	sst s7  }
0x10: {  	[smem:$0x3FB4] =	sst s8  }
0x11: {  	[smem:$0x3FB5] =	sst s9;
	s0 =	simm.s32 @!p0 $0x0  }
0x12: {  	s1 =	sld [smem:$0x3F9B];
	s0 =	simm.s32 @p0 $0x1  }
0x13: {  	[smem:$0x3FB6] =	sst s0;
	s0 =	simm.s32 @!p1 $0x0  }
0x14: {  	s2 =	sld [smem:$0x3F9A];
	s0 =	simm.s32 @p1 $0x1  }
0x15: {  	[smem:$0x3FB7] =	sst s0;
	s0 =	simm.s32 @!p2 $0x0  }
0x16: {  	s3 =	sld [smem:$0x3FDB];
	s0 =	simm.s32 @p2 $0x1  }
0x17: {  	s4 =	simm.s32 $0x1BF5;
	[smem:$0x3FB9] =	sst s0  }
0x18: {  	s0 =	sld [smem:$0x3F9C];
	_ =	swait.ge [sflag:s4], $0x0  }
0x19: {  	s7 =	sld [smem:$0x3F9D]  }
0x1a: {  	s8 =	sadd.s32 $0xFFFFE003, lr  }
0x1b: {  	s9 =	sadd.s32 $0xFFFFFEF7, lr;
	s5 =	simm.s32 $0xFFFFFFFF;
	p2 =	slt.u32 s8, $0xFFFFF086  }
0x1c: {  	p1 =	slt.u32 s9, $0xF7A;
	s5 =	simm.s32 @!p2 $0x0  }
0x1d: {  	s5 =	simm.s32 @p1 $0x1;
	p0 =	seq.s32 s7, s2  }
0x1e: {  	s7 =	smul.u32 @!p0 $0xF7A, s2;
	p2 =	seq.s32 @!p0 s5, $0x0  }
0x1f: {  	s9 =	smul.u32 $0xF7A, s1;
	s8 =	simm.s32 @!p0 $0x1BF5;
	p2 =	por !p2, p0  }
0x20: {  	[sflag:s8] =	ssyncset.s32 @!p0 $0xFFFFF086;
	s6 =	sadd.s32 @!p0 s3, s7;
	s7 =	simm.s32 @!p0 $0x108  }
0x21: {  	s3 =	sadd.s32 s3, s9;
	s6 =	sadd.s32 @!p0 $0x88, s6;
	s7 =	simm.s32 @p2 $0x1082  }
0x22: {  	[simem:s7], [sflag:s8] =	dma.local @!p0 [hbm:s6], $0xF7A  }
0x23: {  	s9 =	sor.u32 $0xD0000000, s2;
	s6 =	simm.s32 $0x108;
	_ =	swait.ge @!p0 [sflag:s8], $0x0  }
0x24: {  	s3 =	sadd.s32 $0x88, s3;
	s6 =	simm.s32 @!p1 $0x1082;
	[sflag:s4] =	ssyncset.s32 $0xFFFFF086  }
0x25: {  	[simem:s6], [sflag:s4] =	dma.local [hbm:s3], $0xF7A  }
0x26: {  	[smem:$0x3F9D] =	sst s1;
	(tag) =	ssettag s2;
	_ =	strace s9  }
0x27: {  	s1 =	sld [smem:$0x3FAD]  }
0x28: {  	s2 =	sld [smem:$0x3FAE]  }
0x29: {  	s4 =	sld [smem:$0x3FB0]  }
0x2a: {  	p0 =	seq.s32 s5, $0x0;
	s5 =	sld [smem:$0x3FB1]  }
0x2b: {  	s6 =	sld [smem:$0x3FB2]  }
0x2c: {  	s7 =	sld [smem:$0x3FB3]  }
0x2d: {  	s3 =	simm.s32 $0x108;
	s8 =	sld [smem:$0x3FB4]  }
0x2e: {  	s3 =	simm.s32 @!p0 $0x1082;
	s9 =	sld [smem:$0x3FB5]  }
0x2f: {  	lr =	sadd.s32 s0, s3;
	s0 =	sld [smem:$0x3FAC]  }
0x30: {  	s3 =	sld [smem:$0x3FAF]  }
0x31: {  	[smem:$0x3FB8] =	sst s10  }
0x32: {  	s10 =	sld [smem:$0x3FB6];
	_ =	sdelay $0x3  }
0x33: {  	p0 =	seq.s32 s10, $0x1;
	s10 =	sld [smem:$0x3FB8];
	_ =	sdelay $0x3  }
0x34: {  	[smem:$0x3FB8] =	sst s10  }
0x35: {  	s10 =	sld [smem:$0x3FB7];
	_ =	sdelay $0x3  }
0x36: {  	p1 =	seq.s32 s10, $0x1;
	s10 =	sld [smem:$0x3FB8];
	_ =	sdelay $0x3  }
0x37: {  	[smem:$0x3FB8] =	sst s10  }
0x38: {  	s10 =	sld [smem:$0x3FB9]  }
0x39: {  	_ = 	snop;
	(pc) =	sbr.ind lr, $3  }
0x3a: {  	_ = 	snop  }
0x3b: {  	_ = 	snop  }
0x3c: {  	p2 =	seq.s32 s10, $0x1;
	s10 =	sld [smem:$0x3FB8]  }
0x3d: {  	_ =	shalt  }
0x3e: {  	_ =	shalt  }
0x3f: {  	_ =	shalt  }
0x40: {  	_ =	shalt  }
0x41: {  	_ =	shalt  }
0x42: {  	_ =	shalt  }
0x43: {  	_ =	shalt  }
0x44: {  	_ =	shalt  }
0x45: {  	_ =	shalt  }
0x46: {  	_ =	shalt  }
0x47: {  	_ =	shalt  }
0x48: {  	_ =	shalt  }
0x49: {  	_ =	shalt  }
0x4a: {  	_ =	shalt  }
0x4b: {  	_ =	shalt  }
0x4c: {  	_ =	shalt  }
0x4d: {  	_ =	shalt  }
0x4e: {  	_ =	shalt  }
0x4f: {  	_ =	shalt  }
0x50: {  	_ =	shalt  }
0x51: {  	_ =	shalt  }
0x52: {  	_ =	shalt  }
0x53: {  	_ =	shalt  }
0x54: {  	_ =	shalt  }
0x55: {  	_ =	shalt  }
0x56: {  	_ =	shalt  }
0x57: {  	_ =	shalt  }
0x58: {  	_ =	shalt  }
0x59: {  	_ =	shalt  }
0x5a: {  	_ =	shalt  }
0x5b: {  	_ =	shalt  }
0x5c: {  	_ =	shalt  }
0x5d: {  	_ =	shalt  }
0x5e: {  	_ =	shalt  }
0x5f: {  	_ =	shalt  }
0x60: {  	_ =	shalt  }
0x61: {  	_ =	shalt  }
0x62: {  	_ =	shalt  }
0x63: {  	_ =	shalt  }
0x64: {  	_ =	shalt  }
0x65: {  	_ =	shalt  }
0x66: {  	_ =	shalt  }
0x67: {  	_ =	shalt  }
0x68: {  	_ =	shalt  }
0x69: {  	_ =	shalt  }
0x6a: {  	_ =	shalt  }
0x6b: {  	_ =	shalt  }
0x6c: {  	_ =	shalt  }
0x6d: {  	_ =	shalt  }
0x6e: {  	_ =	shalt  }
0x6f: {  	_ =	shalt  }
0x70: {  	_ =	shalt  }
0x71: {  	_ =	shalt  }
0x72: {  	_ =	shalt  }
0x73: {  	_ =	shalt  }
0x74: {  	_ =	shalt  }
0x75: {  	_ =	shalt  }
0x76: {  	_ =	shalt  }
0x77: {  	_ =	shalt  }
0x78: {  	_ =	shalt  }
0x79: {  	_ =	shalt  }
0x7a: {  	_ =	shalt  }
0x7b: {  	_ =	shalt  }
0x7c: {  	_ =	shalt  }
0x7d: {  	_ =	shalt  }
0x7e: {  	_ =	shalt  }
0x7f: {  	_ =	shalt  }
0x80: {  	_ =	shalt  }
0x81: {  	_ =	shalt  }
0x82: {  	_ =	shalt  }
0x83: {  	_ =	shalt  }
0x84: {  	_ =	shalt  }
0x85: {  	_ =	shalt  }
0x86: {  	_ =	shalt  }
0x87: {  	_ =	shalt  }
.Lfunc_end0:
.L_simem_size_0:
called_computation.1_lowered:
.L_overlay_start_0:
0x88: {  	s2 =	sld [smem:$0x3FD9]  }
0x89: {  	s3 =	sld [smem:$0x3FFE];
	_ =	sdelay $0x1  }
0x8a: {  	s1 =	srdreg.scid  }
0x8b: {  	s0 =	sand.u32 $0x1, s1  }
0x8c: {  	s17 =	sshll.u32 s0, $0xA;
	s2 =	sadd.s32 s3, s2  }
0x8d: {  	s2 =	sadd.s32 s2, s17  }
0x8e: {  	[smem:$0x3FC4] =	sst s2  }
0x8f: {  	_ = 	snop  }
0x90: {  	s2 =	sld [smem:$0x3FC9]  }
0x91: {  	s18 =	sld [smem:$0x3FD0];
	(tm) =	ssettm $0x1  }
0x92: {  	s4 =	sld [smem:$0x3FFB];
	_ =	sdelay $0x3  }
0x93: {  	_ =	strace s4  }
0x94: {  	s4 =	sld [smem:$0x3FFC];
	_ =	sdelay $0x3  }
0x95: {  	_ =	strace s4  }
0x96: {  	s4 =	sld [smem:$0x3FFD];
	_ =	sdelay $0x3  }
0x97: {  	_ =	strace s4  }
0x98: {  	_ =	strace $0x8FFFFFFF  }
0x99: {  	s19 =	sld [smem:$0x3FDB];
	_ =	sdelay $0x1  }
0x9a: {  	s5 =	simm.s32 $_scs_section_size  }
0x9b: {  	s6 =	simm.s32 $_size__tile_overlayer_lowered;
	s7 =	simm.s32 $_tile_overlayer_lowered  }
0x9c: {  	s22 =	simm.s32 $0x1BFF;
	s21 =	sshll.u32 s7, $0x1;
	s4 =	sadd.s32 s5, s19  }
0x9d: {  	s8 =	simm.s32 $0x0;
	s20 =	sshll.u32 s6, $0x1;
	s6 =	sadd.s32 s21, s4  }
0x9e: {  	[timem:s8], [sflag:s22] =	dma.local [hbm:s6], s20  }
0x9f: {  	_ =	swait.ge [sflag:s22], s20  }
0xa0: {  	s5 =	ssub.s32 $0x0, s20;
	[sflag:s22] =	ssyncset.done $0x0  }
0xa1: {  	[sflag:s22] =	ssyncadd.s32 s5;
	_ =	sdelay $0x1  }
0xa2: {  	s23 =	simm.s32 $0x1B8B  }
0xa3: {  	_ =	swait.ge [sflag:s23], $0x1  }
0xa4: {  	[sflag:s23] =	ssyncset.done $0x0  }
0xa5: {  	s25 =	simm.s32 $0x1B8E;
	s24 =	sld [smem:$0x3FFE];
	[sflag:s23] =	ssyncadd.s32 $0xFFFFFFFF  }
0xa6: {  	s26 =	simm.s32 $execute0_lowered;
	[smem:$0x3FD2] =	sst s25  }
0xa7: {  	s6 =	sshll.u32 s26, $0x1;
	_ =	strace $0x80000046;
	[dreg:$0x1] =	wrdreg $0xFFFFFFFF  }
0xa8: {  	s28 =	simm.s32 $_size_execute0_lowered;
	s4 =	sadd.s32 s4, s6;
	[dreg:$0x0] =	wrdreg $0x0  }
0xa9: {  	s6 =	sshll.u32 s28, $0x1;
	[dreg:$0x2] =	wrdreg s4  }
0xaa: {  	[dreg:$0x3] =	wrdreg s6  }
0xab: {  	[dreg:$0x4] =	wrdreg $0xC0  }
0xac: {  	_ =	task [dreg:s8], $0x5FFFF  }
0xad: {  	[dreg:$0x1] =	wrdreg $0xFFFFFFFF  }
0xae: {  	[dreg:$0x0] =	wrdreg $0x60  }
0xaf: {  	[dreg:$0x2] =	wrdreg s18  }
0xb0: {  	[dreg:$0x3] =	wrdreg s2  }
0xb1: {  	[dreg:$0x4] =	wrdreg s24  }
0xb2: {  	[dreg:$0x5] =	wrdreg $0x9  }
0xb3: {  	_ =	task.clear_ibuf [dreg:s8], $0x6FFFF;
	_ =	strace $0x90000046  }
0xb4: {  	s29 =	simm.s32 $0x9;
	_ =	strace $0x80000048  }
0xb5: {  	_ =	swait.ge [sflag:s29], $0x1  }
0xb6: {  	[sflag:s29] =	ssyncadd.s32 $0xFFFFFFFF  }
0xb7: {  	_ =	strace $0x90000048  }
0xb8: {  	_ =	sfence  }
0xb9: {  	s30 =	sld [smem:$0x0];
	_ =	sdelay $0x2  }
0xba: {  	s31 =	sshll.u32 s1, $0xD;
	s1 =	sshrl.u32 s1, $0x2  }
0xbb: {  	s3 =	sand.u32 $0x4000, s31;
	s1 =	sadd.s32 s1, s30  }
0xbc: {  	s0 =	sor.u32 s3, s0;
	s1 =	sshll.u32 s1, $0x11  }
0xbd: {  	s0 =	sor.u32 s1, s0  }
0xbe: {  	s0 =	sadd.s32 $0x8F2B, s0  }
0xbf: {  	[sflag:s0] =	ssyncadd.remote.s32 $0x1  }
0xc0: {  	_ =	sfence.sel $0xFFFF  }
0xc1: {  	[dreg:$0x0] =	wrdreg $0xFFFFFFFF;
	(pc) =	sbr.abs _section_cstart, $3  }
0xc2: {  	[dreg:$0x1] =	wrdreg $0xFFFFFFFF  }
0xc3: {  	_ =	task.clear_ibuf [dreg:s8], $0x2FFFF;
	_ =	strace $0x9FFFFFFF  }
0xc4: {  	(tm) =	ssettm $0x7FFFFFFF  }
0xc5: {  	_ =	shalt  }
tec
execute0_lowered:
.L_overlay_start_1:
0x0: {  	(tag) =	ssettag $0x1  }
0x1: {  	s1 =	rddreg [dreg:$0x0]  }
0x2: {  	s6 =	rddreg [dreg:$0x1]  }
0x3: {  	s4 =	rddreg [dreg:$0x2]  }
0x4: {  	s0 =	rddreg [dreg:$0x3];
	s2 =	simm.s32 $0x0  }
0x5: {  	s3 =	srdreg.scid;
	s10 =	simm.s32 $0x5;
	s11 =	simm.s32 $0x80  }
0x6: {  	s12 =	simm.s32 $0x3000;
	s13 =	simm.s32 $0x1;
	s14 =	simm.s32 $0x7000  }
0x7: {  	s15 =	simm.s32 $0xB000;
	s16 =	simm.s32 $0x2;
	s17 =	simm.s32 $0xF000  }
0x8: {  	s18 =	simm.s32 $0x3;
	s19 =	simm.s32 $0x4;
	s20 =	simm.s32 $0x0  }
0x9: {  	[smem:$0x7FF] =	sst s2;
	s5 =	sand.u32 $0x1, s3;
	s3 =	stileid.u32  }
0xa: {  	s4 =	sadd.s32 $0xA00, s4;
	_ =	strace $0x80000047;
	s7 =	ssub.s32 $0x2, s5  }
0xb: {  	s9 =	sshll.u32 s3, $0xA;
	s5 =	sshll.u32 s5, $0x9;
	s8 =	sshrl.u32 s7, $0x1  }
0xc: {  	s5 =	sor.u32 s5, s9;
	s9 =	simm.s32 $0x20000;
	s7 =	ssub.s32 s7, s8  }
0xd: {  	s6 =	sadd.s32 s6, s5;
	s8 =	simm.s32 $0x1000;
	s7 =	smax.u32 s7, $0x1  }
.LBB2_1:
0xe: {  	[tilespmem:s2], [sflag:$0x5] =	stream.strided.gather [hbm4b:s6+s8], $0x3000, s9, s8, $0x38;
	[tilespmem:$0x13000] =	vst v63  }
0xf: {  	_ =	swait.ge [sflag:s10], $0x3000  }
0x10: {  	[sflag:s10] =	ssyncset.done $0x0  }
0x11: {  	s21 =	simm.s32 $0x0;
	[sflag:s10] =	ssyncadd.s32 $0xFFFFD000  }
0x12: {  	[tilespmem:s12], [sflag:$0x1] =	stream.indirect.gather [hbm4b:s1+s11], $0x80, s2, s11, $0xb8;
	[tilespmem:$0x13000] =	vst v63  }
.LBB2_2:
0x13: {  	s22 =	sshllo.u32 s21, $0x1  }
0x14: {  	_ =	swait.ge [sflag:s13], $0x4000;
	s23 =	sshll.u32 s21, $0x8;
	s24 =	sshll.u32 s22, $0xA  }
0x15: {  	s26 =	sshll.u32 s21, $0x6;
	s25 =	sand.u32 $0x3000, s23;
	s24 =	sand.u32 $0xC00, s24  }
0x16: {  	[sflag:s13] =	ssyncset.done $0x0;
	s26 =	sand.u32 $0x380, s26;
	s24 =	sor.u32 s24, s25  }
0x17: {  	p0 =	seq.s32 s21, $0x0;
	[sflag:s13] =	ssyncadd.s32 $0xFFFFC000;
	s24 =	sor.u32 s26, s24  }
0x18: {  	[tilespmem:s14], [sflag:$0x2] =	stream.indirect.gather [hbm4b:s1+s11], $0x80, s24, s11, $0xb8;
	[tilespmem:$0x13000] =	vst v63  }
0x19: {  	s24 =	simm.s32 @!p0 $0x3  }
0x1a: {  	_ =	swait.ge @!p0 [sflag:s24], $0x4000  }
0x1b: {  	[sflag:s24] =	ssyncset.done @!p0 $0x0  }
0x1c: {  	s25 =	simm.s32 $0x0;
	[sflag:s24] =	ssyncadd.s32 @!p0 $0xFFFFC000  }
0x1d: {  	v3 =	vld [tilespmem:s25+$0x3030]  }
0x1e: {  	v2 =	vld [tilespmem:s25+$0x3000]  }
0x1f: {  	v0 =	vld [tilespmem:s25+$0x3010]  }
0x20: {  	s26 =	simm.s32 $0x200;
	s24 =	sshll.u32 s21, $0x1;
	v1 =	vld [tilespmem:s25+$0x3020]  }
.LBB2_3:
0x21: {  	p0 =	sne.s32 s26, $0xFE00  }
.Ltmp0:
0x22: {  	s28 =	sshra.s32 s26, $0x2;
	s26 =	sadd.s32 $0x200, s26;
	[tilespmem:s25+$0xB030] =	vst v3;
	(pc) =	sbr.rel @p0 .LBB2_3-.Ltmp0, $4  }
0x23: {  	v3 =	vld [tilespmem:s28+$0x3030];
	[tilespmem:s25+$0xB000] =	vst v2  }
0x24: {  	v2 =	vld [tilespmem:s28+$0x3000];
	[tilespmem:s25+$0xB010] =	vst v0  }
0x25: {  	v0 =	vld [tilespmem:s28+$0x3010];
	[tilespmem:s25+$0xB020] =	vst v1;
	s25 =	smov.u32 s28  }
0x26: {  	v1 =	vld [tilespmem:s25+$0x3020]  }
0x27: {  	s26 =	sshll.u32 s21, $0x11;
	s23 =	sand.u32 $0x100, s23  }
0x28: {  	p0 =	seq.s32 s21, $0x27;
	[tilespmem:s25+$0xB030] =	vst v3;
	s26 =	sand.u32 $0x7C0000, s26;
	s23 =	sor.u32 s5, s23  }
0x29: {  	s24 =	sadd.s32 @!p0 $0x2, s24;
	[tilespmem:s25+$0xB000] =	vst v2;
	s28 =	sshll.u32 s23, $0x4;
	s23 =	sadd.s32 s4, s26  }
0x2a: {  	p1 =	seq.s32 @!p0 s21, $0x0;
	s26 =	sshll.u32 @!p0 s24, $0xA;
	[tilespmem:s25+$0xB010] =	vst v0;
	s31 =	sadd.s32 s28, s23  }
0x2b: {  	s26 =	sand.u32 @!p0 $0x800, s26;
	[tilespmem:s25+$0xB020] =	vst v1;
	s25 =	sshll.u32 @!p0 s24, $0x7;
	s24 =	sshll.u32 @!p0 s24, $0x5  }
0x2c: {  	[hbm4b:s31+s2] =	stream.linear.scatter [tilespmem:s15], [sflag:$0x3], $0x4000, $0x38;
	[tilespmem:$0x13000] =	vst v63  }
0x2d: {  	s25 =	sand.u32 @!p0 $0x7000, s25;
	s24 =	sand.u32 @!p0 $0x380, s24;
	_ =	swait.ge [sflag:s16], $0x4000  }
0x2e: {  	s25 =	sor.u32 @!p0 s26, s25;
	s26 =	simm.s32 @!p0 $0x3000;
	[sflag:s16] =	ssyncset.done $0x0  }
0x2f: {  	s24 =	sor.u32 @!p0 s24, s25;
	s25 =	simm.s32 @!p0 $0x80;
	[sflag:s16] =	ssyncadd.s32 $0xFFFFC000  }
0x30: {  	[tilespmem:s26], [sflag:$0x1] =	stream.indirect.gather @!p0 [hbm4b:s1+s25], $0x80, s24, s25, $0xb8;
	[tilespmem:$0x13000] =	vst v63  }
0x31: {  	p0 =	por p0, !p1  }
0x32: {  	_ =	swait.ge @p0 [sflag:s19], $0x4000  }
0x33: {  	[sflag:s19] =	ssyncset.done @p0 $0x0  }
0x34: {  	s24 =	simm.s32 $0x0;
	[sflag:s19] =	ssyncadd.s32 @p0 $0xFFFFC000  }
0x35: {  	v3 =	vld [tilespmem:s24+$0x7030]  }
0x36: {  	v1 =	vld [tilespmem:s24+$0x7000]  }
0x37: {  	v0 =	vld [tilespmem:s24+$0x7010]  }
0x38: {  	s25 =	simm.s32 $0x200;
	v2 =	vld [tilespmem:s24+$0x7020]  }
.LBB2_5:
0x39: {  	p0 =	sne.s32 s25, $0xFE00  }
.Ltmp1:
0x3a: {  	s26 =	sshra.s32 s25, $0x2;
	s25 =	sadd.s32 $0x200, s25;
	[tilespmem:s24+$0xF030] =	vst v3;
	(pc) =	sbr.rel @p0 .LBB2_5-.Ltmp1, $4  }
0x3b: {  	v3 =	vld [tilespmem:s26+$0x7030];
	[tilespmem:s24+$0xF000] =	vst v1  }
0x3c: {  	v1 =	vld [tilespmem:s26+$0x7000];
	[tilespmem:s24+$0xF010] =	vst v0  }
0x3d: {  	v0 =	vld [tilespmem:s26+$0x7010];
	[tilespmem:s24+$0xF020] =	vst v2;
	s24 =	smov.u32 s26  }
0x3e: {  	v2 =	vld [tilespmem:s24+$0x7020]  }
0x3f: {  	s21 =	sadd.s32 $0x1, s21  }
0x40: {  	s22 =	sshll.u32 s22, $0x7;
	p0 =	sne.s32 s21, $0x28  }
.Ltmp2:
0x41: {  	[tilespmem:s24+$0xF030] =	vst v3;
	s22 =	sand.u32 $0x180, s22;
	(pc) =	sbr.rel @p0 .LBB2_2-.Ltmp2, $4  }
0x42: {  	[tilespmem:s24+$0xF000] =	vst v1;
	s22 =	sor.u32 s5, s22  }
0x43: {  	[tilespmem:s24+$0xF010] =	vst v0;
	s22 =	sshll.u32 s22, $0x4  }
0x44: {  	[tilespmem:s24+$0xF020] =	vst v2;
	s22 =	sadd.s32 s22, s23  }
0x45: {  	[hbm4b:s22+s2] =	stream.linear.scatter [tilespmem:s17], [sflag:$0x4], $0x4000, $0x38;
	[tilespmem:$0x13000] =	vst v63  }
0x46: {  	s20 =	sadd.s32 $0x1, s20  }
0x47: {  	_ =	swait.ge [sflag:s18], $0x4000;
	p0 =	sne.s32 s20, s7  }
.Ltmp3:
0x48: {  	[sflag:s18] =	ssyncset.done $0x0;
	(pc) =	sbr.rel @p0 .LBB2_1-.Ltmp3, $4  }
0x49: {  	[sflag:s18] =	ssyncadd.s32 $0xFFFFC000  }
0x4a: {  	_ =	swait.ge [sflag:s19], $0x4000  }
0x4b: {  	[sflag:s19] =	ssyncset.done $0x0  }
0x4c: {  	[sflag:s19] =	ssyncadd.s32 $0xFFFFC000  }
0x4d: {  	_ =	sfence.sel $0x180000  }
0x4e: {  	[bflag:$0x0] =	sbarrier.arrive $0xFFFF  }
0x4f: {  	p0 =	sne.s32 s3, $0x0;
	_ =	strace $0x90000047  }
0x50: {  	s0 =	sadd.s32 @!p0 $0x100000, s0;
	[bflag:$0x2] =	sbarrier.arrive $0xFFFF  }
0x51: {  	[sflag:s0] =	ssyncadd.tile.s32 @!p0 $0x1;
	_ =	shalt  }
.Lfunc_end2:
_tile_overlayer_lowered:
.L_overlay_start_2:
0x52: {  	(tag) =	ssettag $0x2  }
0x53: {  	s0 =	rddreg [dreg:$0x0];
	s2 =	stileid.u32  }
0x54: {  	s1 =	rddreg [dreg:$0x1];
	p0 =	sne.s32 s2, $0x0  }
0x55: {  	s3 =	rddreg [dreg:$0x2];
	[bflag:$0x3] =	sbarrier.arrive $0xFFFF;
	s2 =	simm.s32 @!p0 $0x1C05  }
0x56: {  	[timem:s3], [sflag:s2] =	dma.local @!p0 [hbm:s0], s1  }
0x57: {  	s0 =	simm.s32 @!p0 $0x5  }
0x58: {  	_ =	swait.ge @!p0 [sflag:s0], s1  }
0x59: {  	s1 =	ssub.s32 @!p0 $0x0, s1;
	[sflag:s0] =	ssyncset.done @!p0 $0x0  }
0x5a: {  	[sflag:s0] =	ssyncadd.s32 @!p0 s1  }
0x5b: {  	[bflag:$0x3] =	sbarrier.arrive $0xFFFF  }
0x5c: {  	_ =	shalt  }

// kernel: sparse-core-data-format-call.cloned.1.call-start
scs
called_computation_lowered:
.L_overlay_start_0:
0x0: {  	s2 =	sld [smem:$0x3FD9]  }
0x1: {  	s3 =	sld [smem:$0x3FFE];
	_ =	sdelay $0x1  }
0x2: {  	s1 =	srdreg.scid  }
0x3: {  	s0 =	sand.u32 $0x1, s1  }
0x4: {  	s18 =	sshll.u32 s0, $0xA;
	s2 =	sadd.s32 s3, s2  }
0x5: {  	s2 =	sadd.s32 s2, s18  }
0x6: {  	[smem:$0x3FC4] =	sst s2  }
0x7: {  	_ = 	snop  }
0x8: {  	s2 =	sld [smem:$0x3FD0];
	(tm) =	ssettm $0x1  }
0x9: {  	s19 =	sld [smem:$0x3FFB];
	_ =	sdelay $0x3  }
0xa: {  	_ =	strace s19  }
0xb: {  	s3 =	sld [smem:$0x3FFC];
	_ =	sdelay $0x3  }
0xc: {  	_ =	strace s3  }
0xd: {  	s3 =	sld [smem:$0x3FFD];
	_ =	sdelay $0x3  }
0xe: {  	_ =	strace s3  }
0xf: {  	_ =	strace $0x8FFFFFFF  }
0x10: {  	s20 =	sld [smem:$0x3FDB];
	_ =	sdelay $0x1  }
0x11: {  	s4 =	simm.s32 $_scs_section_size  }
0x12: {  	s5 =	simm.s32 $_size__tile_overlayer_lowered;
	s6 =	simm.s32 $_tile_overlayer_lowered  }
0x13: {  	s23 =	simm.s32 $0x1BFF;
	s22 =	sshll.u32 s6, $0x1;
	s3 =	sadd.s32 s4, s20  }
0x14: {  	s7 =	simm.s32 $0x0;
	s21 =	sshll.u32 s5, $0x1;
	s5 =	sadd.s32 s22, s3  }
0x15: {  	[timem:s7], [sflag:s23] =	dma.local [hbm:s5], s21  }
0x16: {  	_ =	swait.ge [sflag:s23], s21  }
0x17: {  	s4 =	ssub.s32 $0x0, s21;
	[sflag:s23] =	ssyncset.done $0x0  }
0x18: {  	[sflag:s23] =	ssyncadd.s32 s4;
	_ =	sdelay $0x1  }
0x19: {  	s24 =	simm.s32 $0x1B8B  }
0x1a: {  	_ =	swait.ge [sflag:s24], $0x1  }
0x1b: {  	[sflag:s24] =	ssyncset.done $0x0  }
0x1c: {  	s26 =	simm.s32 $0x1B8E;
	s25 =	sld [smem:$0x3FFE];
	[sflag:s24] =	ssyncadd.s32 $0xFFFFFFFF  }
0x1d: {  	s27 =	simm.s32 $execute0_lowered;
	[smem:$0x3FD2] =	sst s26  }
0x1e: {  	s5 =	sshll.u32 s27, $0x1;
	_ =	strace $0x80000049;
	[dreg:$0x1] =	wrdreg $0xFFFFFFFF  }
0x1f: {  	s28 =	simm.s32 $_size_execute0_lowered;
	s3 =	sadd.s32 s3, s5;
	[dreg:$0x0] =	wrdreg $0x0  }
0x20: {  	s5 =	sshll.u32 s28, $0x1;
	[dreg:$0x2] =	wrdreg s3  }
0x21: {  	[dreg:$0x3] =	wrdreg s5  }
0x22: {  	[dreg:$0x4] =	wrdreg $0xC0  }
0x23: {  	_ =	task [dreg:s7], $0x5FFFF  }
0x24: {  	[dreg:$0x1] =	wrdreg $0xFFFFFFFF  }
0x25: {  	[dreg:$0x0] =	wrdreg $0x60  }
0x26: {  	[dreg:$0x2] =	wrdreg s25  }
0x27: {  	[dreg:$0x3] =	wrdreg s2  }
0x28: {  	[dreg:$0x4] =	wrdreg $0x9  }
0x29: {  	_ =	task.clear_ibuf [dreg:s7], $0x5FFFF;
	_ =	strace $0x90000049  }
0x2a: {  	s29 =	simm.s32 $0x9;
	_ =	strace $0x8000004B  }
0x2b: {  	_ =	swait.ge [sflag:s29], $0x1  }
0x2c: {  	[sflag:s29] =	ssyncadd.s32 $0xFFFFFFFF  }
0x2d: {  	_ =	strace $0x9000004B  }
0x2e: {  	_ =	sfence  }
0x2f: {  	s30 =	sld [smem:$0x0];
	_ =	sdelay $0x2  }
0x30: {  	s31 =	sshll.u32 s1, $0xD;
	s1 =	sshrl.u32 s1, $0x2  }
0x31: {  	s3 =	sand.u32 $0x4000, s31;
	s1 =	sadd.s32 s1, s30  }
0x32: {  	s0 =	sor.u32 s3, s0;
	s1 =	sshll.u32 s1, $0x11  }
0x33: {  	s0 =	sor.u32 s1, s0  }
0x34: {  	s0 =	sadd.s32 $0x8F2B, s0  }
0x35: {  	[sflag:s0] =	ssyncadd.remote.s32 $0x1  }
0x36: {  	_ =	sfence.sel $0xFFFF  }
0x37: {  	[dreg:$0x0] =	wrdreg $0xFFFFFFFF;
	(pc) =	sbr.abs _section_cstart, $3  }
0x38: {  	[dreg:$0x1] =	wrdreg $0xFFFFFFFF  }
0x39: {  	_ =	task.clear_ibuf [dreg:s7], $0x2FFFF;
	_ =	strace $0x9FFFFFFF  }
0x3a: {  	(tm) =	ssettm $0x7FFFFFFF  }
0x3b: {  	_ =	shalt  }
tec
execute0_lowered:
.L_overlay_start_1:
0x0: {  	(tag) =	ssettag $0x1  }
0x1: {  	s0 =	srdreg.scid  }
0x2: {  	s1 =	sshll.u32 s0, $0x4  }
0x3: {  	s0 =	stileid.u32;
	s1 =	sand.u32 $0x10, s1  }
0x4: {  	s7 =	rddreg [dreg:$0x0];
	s1 =	sor.u32 s0, s1  }
0x5: {  	s4 =	simm.s32 $0x1;
	s8 =	simm.s32 $0x2;
	s2 =	sshll.u32 s1, $0x7  }
0x6: {  	s13 =	simm.s32 $0x0;
	s9 =	simm.s32 $0x20000;
	s1 =	ssub.s32 $0x4000, s2  }
0x7: {  	s14 =	simm.s32 $0x0;
	s11 =	simm.s32 $0x0;
	s3 =	sand.u32 $0xF80, s1  }
0x8: {  	s12 =	simm.s32 $0x0;
	s5 =	sshrl.u32 s1, $0xC;
	p0 =	sne.s32 s3, $0x0  }
.Ltmp0:
0x9: {  	s1 =	rddreg [dreg:$0x2];
	s4 =	simm.s32 @!p0 $0x0;
	(pc) =	sbr.rel .LBB1_1-.Ltmp0, $4  }
0xa: {  	s6 =	sadd.s32 $0xA00, s7;
	s3 =	rddreg [dreg:$0x1];
	s5 =	sadd.s32 s4, s5  }
0xb: {  	_ =	strace $0x8000004A;
	s4 =	simm.s32 $0x1;
	s5 =	smul.u32 $0xA, s5  }
0xc: {  	s7 =	sadd.s32 $0x40A00, s7;
	s10 =	smov.u32 s2;
	[sflag:s4] =	ssyncpa.u1 $0x0  }
0xd: {  	p0 =	por $0x0, $0x0;
	[sflag:s8] =	ssyncpa.u1 $0x0;
	s8 =	sor.u32 $0x1, s5  }
.LBB1_7:
0xe: {  	s15 =	sadd.s32 $0x1000, s10  }
0xf: {  	s13 =	sadd.s32 $0x2, s11;
	s17 =	smov.u32 s11;
	p2 =	sgt.s32 s15, $0x3FFF  }
0x10: {  	s17 =	smov.u32 @p2 s13  }
0x11: {  	s15 =	smov.u32 @p2 s2;
	p2 =	sgt.s32 s17, $0x13  }
0x12: {  	s17 =	simm.s32 @p2 $0x0;
	p2 =	sne.s32 s12, s8  }
.Ltmp1:
0x13: {  	p1 =	slt.u32 s12, $0x2;
	(pc) =	sbr.rel @!p2 .LBB1_8-.Ltmp1, $4  }
0x14: {  	s16 =	simm.s32 @!p1 $0x2  }
0x15: {  	s14 =	smov.u32 s11;
	p0 =	por !p0, !p0;
	_ =	swait.ge @!p1 [sflag:s16], $0x4000  }
0x16: {  	s13 =	smov.u32 s10;
	[sflag:s16] =	ssyncset.done @!p1 $0x0;
	s10 =	smov.u32 s15  }
0x17: {  	s12 =	sadd.s32 $0x1, s12;
	[sflag:s16] =	ssyncadd.s32 @!p1 $0xFFFFC000;
	s11 =	smov.u32 s17  }
.LBB1_1:
0x18: {  	p1 =	sge.u32 s12, s5  }
0x19: {  	s15 =	sxor.u32 @!p1 $0xFFFFFFFF, s12;
	s16 =	sshll.u32 @!p1 s11, $0x12  }
0x1a: {  	s17 =	sshll.u32 @!p1 s10, $0x4;
	s19 =	simm.s32 @!p1 $0x40;
	s20 =	simm.s32 @!p1 $0x80  }
0x1b: {  	s15 =	sshll.u32 @!p1 s15, $0xE;
	s17 =	sand.u32 @!p1 $0x3FFF0, s17;
	s18 =	sadd.s32 @!p1 s6, s16  }
0x1c: {  	s16 =	sadd.s32 @!p1 s16, s7;
	s15 =	sand.u32 @!p1 $0x4000, s15;
	s18 =	sadd.s32 @!p1 s17, s18  }
0x1d: {  	[tilespmem:s15], [sflag:$0x1] =	stream.strided.gather @!p1 [hbm4b:s18+s19], $0x2000, s20, s19, $0x38;
	[tilespmem:$0x10100] =	vst v63  }
0x1e: {  	s31 =	sadd.s32 $0xFFFFFFFF, s12;
	s16 =	sadd.s32 @!p1 s17, s16;
	s15 =	sor.u32 @!p1 $0x2000, s15  }
0x1f: {  	[tilespmem:s15], [sflag:$0x1] =	stream.strided.gather @!p1 [hbm4b:s16+s19], $0x2000, s20, s19, $0x38;
	[tilespmem:$0x10100] =	vst v63  }
0x20: {  	p1 =	sge.u32 s31, s5  }
.Ltmp2:
0x21: {  	_ = 	snop;
	(pc) =	sbr.rel @p1 .LBB1_7-.Ltmp2, $1  }
0x22: {  	_ =	sdelay $0x3  }
0x23: {  	s15 =	simm.s32 $0x1;
	s17 =	sand.u32 $0x1, s12  }
0x24: {  	_ =	swait.ge [sflag:s4], $0x4000;
	s15 =	simm.s32 @!p0 $0x0;
	s17 =	smul.u32 $0x10200, s17  }
0x25: {  	p2 =	por $0x1, $0x1;
	[sflag:s4] =	ssyncset.done $0x0;
	s16 =	smul.u32 $0x10200, s15  }
0x26: {  	s18 =	sshll.u32 s15, $0x10;
	[sflag:s4] =	ssyncadd.s32 $0xFFFFC000;
	s30 =	sshrl.u32 s17, $0x2  }
0x27: {  	s31 =	sshrl.u32 s18, $0x2;
	s18 =	simm.s32 $0x0;
	s16 =	sshrl.u32 s16, $0x2  }
0x28: {  	s15 =	sor.u32 $0x8000, s30;
	s17 =	sadd.s32 $0x20, s31;
	s16 =	sor.u32 $0x8000, s16  }
.LBB1_3:
0x29: {  	s19 =	sshll.u32 s18, $0xD  }
0x2a: {  	s19 =	sand.u32 $0x3FFFE000, s19  }
0x2b: {  	s21 =	sadd.s32 s19, s17  }
0x2c: {  	s31 =	smul.u32 $0x8100, s18;
	v3 =	vld [tilespmem:s21+$0x10]  }
0x2d: {  	v1 =	vld [tilespmem:s21+$0xFFFFFFF0]  }
0x2e: {  	s18 =	sshra.s32 s31, $0x2;
	v0 =	vld [tilespmem:s21+$0x0]  }
0x2f: {  	s18 =	sadd.s32 s18, s16;
	v2 =	vld [tilespmem:s21+$0xFFFFFFE0]  }
0x30: {  	s19 =	sadd.s32 $0x0, s18  }
0x31: {  	p1 =	por p2, p2;
	s20 =	simm.s32 $0x4;
	s21 =	sadd.s32 $0x40, s21;
	[tilespmem:s19+$0x1830 ss:$0x81] =	vst.msk $0xffff, v3  }
.LBB1_4:
0x32: {  	v3 =	vld [tilespmem:s21+$0x10];
	p2 =	sne.s32 s20, $0x1FC;
	[tilespmem:s19+$0x810 ss:$0x81] =	vst.msk $0xffff, v1;
	s22 =	smov.u32 s20;
	s20 =	sadd.s32 $0x4, s20  }
.Ltmp3:
0x33: {  	v1 =	vld [tilespmem:s21+$0xFFFFFFF0];
	[tilespmem:s19+$0x1020 ss:$0x81] =	vst.msk $0xffff, v0;
	(pc) =	sbr.rel @p2 .LBB1_4-.Ltmp3, $4  }
0x34: {  	v0 =	vld [tilespmem:s21+$0x0];
	[tilespmem:s19+$0x0 ss:$0x81] =	vst.msk $0xffff, v2  }
0x35: {  	s19 =	sshra.s32 s22, $0x2;
	v2 =	vld [tilespmem:s21+$0xFFFFFFE0]  }
0x36: {  	s19 =	sadd.s32 s19, s18  }
0x37: {  	s21 =	sadd.s32 $0x40, s21;
	[tilespmem:s19+$0x1830 ss:$0x81] =	vst.msk $0xffff, v3  }
.Ltmp4:
0x38: {  	(pc) =	sbr.rel @p1 .LBB1_3-.Ltmp4, $4  }
0x39: {  	_ = 	snop  }
0x3a: {  	[tilespmem:s19+$0x810 ss:$0x81] =	vst.msk $0xffff, v1  }
0x3b: {  	[tilespmem:s19+$0x1020 ss:$0x81] =	vst.msk $0xffff, v0  }
0x3c: {  	s18 =	simm.s32 $0x1;
	p2 =	por $0x0, $0x0;
	[tilespmem:s19+$0x0 ss:$0x81] =	vst.msk $0xffff, v2  }
0x3d: {  	s16 =	sshll.u32 s13, $0x3;
	s17 =	sand.u32 $0x78, s13;
	s14 =	sshll.u32 s14, $0x11  }
.Ltmp5:
0x3e: {  	s30 =	sand.u32 $0x1F800, s13;
	s16 =	sand.u32 $0x3C00, s16;
	(pc) =	sbr.rel .LBB1_7-.Ltmp5, $4  }
0x3f: {  	s31 =	sand.u32 $0x7, s13;
	s14 =	sadd.s32 s3, s14;
	s16 =	sor.u32 s17, s16  }
0x40: {  	s13 =	sshll.u32 s31, $0x12;
	s14 =	sadd.s32 s30, s14;
	s16 =	sshrl.u32 s16, $0x3  }
0x41: {  	s13 =	sor.u32 $0x400, s13;
	s14 =	sadd.s32 s16, s14  }
0x42: {  	[hbm4b:s14+s13] =	stream.strided.scatter [tilespmem:s15], [sflag:$0x2], $0x4000, s9, s13, $0x20;
	[tilespmem:$0x10100] =	vst v63  }
.LBB1_8:
0x43: {  	_ =	sfence.sel $0x180000  }
0x44: {  	s2 =	simm.s32 $0x1;
	[bflag:$0x0] =	sbarrier.arrive $0xFFFF  }
0x45: {  	s31 =	simm.s32 $0x2;
	[sflag:s2] =	ssyncpa.u1 $0x1  }
0x46: {  	[sflag:s31] =	ssyncpa.u1 $0x1  }
0x47: {  	p0 =	sne.s32 s0, $0x0;
	_ =	strace $0x9000004A  }
0x48: {  	s0 =	sadd.s32 @!p0 $0x100000, s1;
	[bflag:$0x2] =	sbarrier.arrive $0xFFFF  }
0x49: {  	[sflag:s0] =	ssyncadd.tile.s32 @!p0 $0x1;
	_ =	shalt  }
.Lfunc_end1:
_tile_overlayer_lowered:
.L_overlay_start_2:
0x4a: {  	(tag) =	ssettag $0x2  }
0x4b: {  	s0 =	rddreg [dreg:$0x0];
	s2 =	stileid.u32  }
0x4c: {  	s1 =	rddreg [dreg:$0x1];
	p0 =	sne.s32 s2, $0x0  }
0x4d: {  	s3 =	rddreg [dreg:$0x2];
	[bflag:$0x3] =	sbarrier.arrive $0xFFFF;
	s2 =	simm.s32 @!p0 $0x1C01  }
0x4e: {  	[timem:s3], [sflag:s2] =	dma.local @!p0 [hbm:s0], s1  }
0x4f: {  	s0 =	simm.s32 @!p0 $0x1  }
0x50: {  	_ =	swait.ge @!p0 [sflag:s0], s1  }
0x51: {  	s1 =	ssub.s32 @!p0 $0x0, s1;
	[sflag:s0] =	ssyncset.done @!p0 $0x0  }
0x52: {  	[sflag:s0] =	ssyncadd.s32 @!p0 s1  }
0x53: {  	[bflag:$0x3] =	sbarrier.arrive $0xFFFF  }
0x54: {  	_ =	shalt  }

</sc_bundles>
